<compile_context>
chip_gen: v7x
topology: tpu7x:2x2x1
jax: 0.10.2.dev20260603
libtpu: 0.0.44.dev20260713+nightly
codegen_flags: <defaults>
</compile_context>

<pallas_src>
import functools

import jax
import jax.numpy as jnp
from jax import lax
from jax.experimental import pallas as pl
from jax.experimental.pallas import tpu as pltpu
from jax.experimental.pallas import tpu_sc as plsc

N = 10000
E = 160000
D = 256
NP = 10240
PADN = 10016
NS = 16
NC = 2
K = 128
EPT = 10240
EPAD = NS * EPT
NCHUNK = EPT // K
RPT = NP // NS
HD = D // NC

BLKR = 2048
NBLK = NP // BLKR

_mesh = plsc.VectorSubcoreMesh(core_axis_name="c", subcore_axis_name="s")


@functools.partial(
    pl.kernel,
    out_type=jax.ShapeDtypeStruct((NC * NS, NP), jnp.float32),
    mesh=_mesh,
    scratch_types=[
        pltpu.VMEM((NCHUNK, K), jnp.int32),
        pltpu.VMEM((NP,), jnp.float32),
        pltpu.VMEM((K,), jnp.float32),
        pltpu.VMEM_SHARED((NS * NP,), jnp.float32),
        pltpu.SemaphoreType.DMA,
    ],
)
def _deg_kernel(src_hbm, dst_hbm, out_hbm, idxv, zbuf, ones_v, hist_sh, sem):
    c = lax.axis_index("c")
    s = lax.axis_index("s")

    @pl.when(c == 0)
    def _():
        pltpu.sync_copy(src_hbm.at[s], idxv)

    @pl.when(c == 1)
    def _():
        pltpu.sync_copy(dst_hbm.at[s], idxv)

    one16 = jnp.ones((16,), jnp.float32)
    z16 = jnp.zeros((16,), jnp.float32)

    def _fill_ones(i, _):
        ones_v[pl.ds(i * 16, 16)] = one16
        return 0
    lax.fori_loop(0, K // 16, _fill_ones, 0)

    def _fill_zero(i, _):
        zbuf[pl.ds(i * 16, 16)] = z16
        return 0
    lax.fori_loop(0, NP // 16, _fill_zero, 0)
    pltpu.sync_copy(zbuf, hist_sh.at[pl.ds(s * NP, NP)])

    off = s * NP
    def _adj(i, _):
        for j in range(K // 16):
            idxv[i, pl.ds(j * 16, 16)] = idxv[i, pl.ds(j * 16, 16)] + off
        return 0
    lax.fori_loop(0, NCHUNK, _adj, 0)

    def _fire(i, _):
        pltpu.async_copy(ones_v, hist_sh.at[idxv.at[i]], sem, add=True)
        return 0
    lax.fori_loop(0, NCHUNK, _fire, 0)

    def _drain(i, _):
        pltpu.make_async_copy(ones_v, hist_sh.at[pl.ds(0, K)], sem).wait()
        return 0
    lax.fori_loop(0, NCHUNK, _drain, 0)

    pltpu.sync_copy(hist_sh.at[pl.ds(s * NP, NP)], out_hbm.at[c * NS + s])


@functools.partial(
    pl.kernel,
    out_type=jax.ShapeDtypeStruct((NC * NP, HD), jnp.float32),
    mesh=_mesh,
    scratch_types=[
        pltpu.VMEM((EPT,), jnp.int32),
        pltpu.VMEM((K,), jnp.int32),
        pltpu.VMEM((K,), jnp.int32),
        pltpu.VMEM((K, HD), jnp.float32),
        pltpu.VMEM((K, HD), jnp.float32),
        pltpu.VMEM_SHARED((NP, HD), jnp.float32),
        pltpu.SemaphoreType.DMA,
        pltpu.SemaphoreType.DMA,
        pltpu.SemaphoreType.DMA,
        pltpu.SemaphoreType.DMA,
    ],
)
def _edge_kernel(h_hbm, src_hbm, dst_hbm, out_hbm,
                 srcv, db0, db1, gb0, gb1, acc, dl0, dl1, gs0, gs1):
    c = lax.axis_index("c")
    s = lax.axis_index("s")
    gbufs = (gb0, gb1)
    gsems = (gs0, gs1)
    dbufs = (db0, db1)
    dlsems = (dl0, dl1)

    off = c * NP
    ebase = s * EPT

    pltpu.sync_copy(src_hbm.at[pl.ds(ebase, EPT)], srcv)
    def _adj(i, _):
        srcv[pl.ds(i * 16, 16)] = srcv[pl.ds(i * 16, 16)] + off
        return 0
    lax.fori_loop(0, EPT // 16, _adj, 0)

    def _dl(i, j):
        pltpu.async_copy(dst_hbm.at[pl.ds(ebase + i * K, K)], dbufs[j], dlsems[j])

    def _dlw(j):
        pltpu.make_async_copy(dst_hbm.at[pl.ds(0, K)], dbufs[j], dlsems[j]).wait()

    def _gs(i, j):
        pltpu.async_copy(h_hbm.at[srcv.at[pl.ds(i * K, K)]], gbufs[j], gsems[j])

    def _gw(j):
        pltpu.make_async_copy(h_hbm.at[pl.ds(0, K)], gbufs[j], gsems[j]).wait()

    def _scat(j):
        pltpu.sync_copy(gbufs[j], acc.at[dbufs[j]], add=True)

    z16 = jnp.zeros((16,), jnp.float32)
    def _zrow(i, _):
        for q in range(HD // 16):
            gb0[i, pl.ds(q * 16, 16)] = z16
        return 0
    lax.fori_loop(0, K, _zrow, 0)
    for q in range(RPT // K):
        pltpu.sync_copy(gb0, acc.at[pl.ds(s * RPT + q * K, K)])
    plsc.subcore_barrier()

    _dl(0, 0)
    _dl(1, 1)
    _gs(0, 0)
    def _pair(k, _):
        i0 = 2 * k
        _gw(0); _gs(i0 + 1, 1); _dlw(0); _scat(0); _dl(i0 + 2, 0)
        _gw(1); _gs(i0 + 2, 0); _dlw(1); _scat(1); _dl(i0 + 3, 1)
        return 0
    lax.fori_loop(0, NCHUNK // 2 - 1, _pair, 0)
    _gw(0); _gs(NCHUNK - 1, 1); _dlw(0); _scat(0)
    _gw(1); _dlw(1); _scat(1)
    plsc.subcore_barrier()

    pltpu.sync_copy(acc.at[pl.ds(s * RPT, RPT)],
                    out_hbm.at[pl.ds(c * NP + s * RPT, RPT)])


def _mm_pre_body(x_ref, p_ref, w_ref, out_ref, rdo_ref, rdi_ref):
    p = p_ref[...]
    so = jnp.sum(p[:, :NS], axis=1, keepdims=True)
    si = jnp.sum(p[:, NS:], axis=1, keepdims=True)
    rdo = lax.rsqrt(jnp.maximum(so, 1.0))
    rdi = lax.rsqrt(jnp.maximum(si, 1.0))
    rdo_ref[...] = rdo
    rdi_ref[...] = rdi
    xs = x_ref[...] * rdo
    h = jnp.dot(xs, w_ref[...], preferred_element_type=jnp.float32)
    out_ref[0] = h[:, :HD]
    out_ref[1] = h[:, HD:]


def _mm_mid_body(al_ref, ar_ref, rdi_ref, rdo_ref, b_ref, w_ref, out_ref):
    a = jnp.concatenate([al_ref[0], ar_ref[0]], axis=1)
    t = jnp.maximum(a * rdi_ref[...] + b_ref[...], 0.0)
    t = t * rdo_ref[...]
    h = jnp.dot(t, w_ref[...], preferred_element_type=jnp.float32)
    out_ref[0] = h[:, :HD]
    out_ref[1] = h[:, HD:]


def _fin_body(al_ref, ar_ref, rdi_ref, b_ref, out_ref):
    a = jnp.concatenate([al_ref[0], ar_ref[0]], axis=1)
    out_ref[...] = jnp.maximum(a * rdi_ref[...] + b_ref[...], 0.0)


def _mm_pre(x_pad, partials_t, W):
    return pl.pallas_call(
        _mm_pre_body,
        grid=(NBLK,),
        in_specs=[
            pl.BlockSpec((BLKR, D), lambda r: (r, 0)),
            pl.BlockSpec((BLKR, NC * NS), lambda r: (r, 0)),
            pl.BlockSpec((D, D), lambda r: (0, 0)),
        ],
        out_specs=[
            pl.BlockSpec((NC, BLKR, HD), lambda r: (0, r, 0)),
            pl.BlockSpec((BLKR, 1), lambda r: (r, 0)),
            pl.BlockSpec((BLKR, 1), lambda r: (r, 0)),
        ],
        out_shape=[
            jax.ShapeDtypeStruct((NC, NP, HD), jnp.float32),
            jax.ShapeDtypeStruct((NP, 1), jnp.float32),
            jax.ShapeDtypeStruct((NP, 1), jnp.float32),
        ],
    )(x_pad, partials_t, W)


def _mm_mid(agg, rdi, rdo, b, W):
    return pl.pallas_call(
        _mm_mid_body,
        grid=(NBLK,),
        in_specs=[
            pl.BlockSpec((1, BLKR, HD), lambda r: (0, r, 0)),
            pl.BlockSpec((1, BLKR, HD), lambda r: (1, r, 0)),
            pl.BlockSpec((BLKR, 1), lambda r: (r, 0)),
            pl.BlockSpec((BLKR, 1), lambda r: (r, 0)),
            pl.BlockSpec((1, D), lambda r: (0, 0)),
            pl.BlockSpec((D, D), lambda r: (0, 0)),
        ],
        out_specs=pl.BlockSpec((NC, BLKR, HD), lambda r: (0, r, 0)),
        out_shape=jax.ShapeDtypeStruct((NC, NP, HD), jnp.float32),
    )(agg, agg, rdi, rdo, b, W)


def _fin(agg, rdi, b):
    return pl.pallas_call(
        _fin_body,
        grid=(NBLK,),
        in_specs=[
            pl.BlockSpec((1, BLKR, HD), lambda r: (0, r, 0)),
            pl.BlockSpec((1, BLKR, HD), lambda r: (1, r, 0)),
            pl.BlockSpec((BLKR, 1), lambda r: (r, 0)),
            pl.BlockSpec((1, D), lambda r: (0, 0)),
        ],
        out_specs=pl.BlockSpec((BLKR, D), lambda r: (r, 0)),
        out_shape=jax.ShapeDtypeStruct((NP, D), jnp.float32),
    )(agg, agg, rdi, b)


def kernel(features, edge_index, W1, b1, W2, b2):
    pad = (jnp.arange(EPAD - E, dtype=jnp.int32) % (NP - N)) + N
    src = jnp.concatenate([edge_index[0], pad])
    dst = jnp.concatenate([edge_index[1], pad])
    src3 = src.reshape(NS, NCHUNK, K)
    dst3 = dst.reshape(NS, NCHUNK, K)

    x_pad = jnp.pad(features, ((0, NP - N), (0, 0)))

    partials = _deg_kernel(src3, dst3)

    b1r = b1.reshape(1, D)
    b2r = b2.reshape(1, D)

    h, rdo, rdi = _mm_pre(x_pad, partials.T, W1)
    agg = _edge_kernel(h.reshape(NC * NP, HD), src, dst).reshape(NC, NP, HD)
    g = _mm_mid(agg, rdi, rdo, b1r, W2)
    agg2 = _edge_kernel(g.reshape(NC * NP, HD), src, dst).reshape(NC, NP, HD)
    out = _fin(agg2, rdi, b2r)
    return out[:N]

# --- scband reference (transcript-rebuilt; emitter-appended) ---
"""Pipeline reference for scband-gcn-66623532696267 (READ-ONLY COPY).

The authoritative reference and input builder live on the scoring server;
editing this copy changes nothing except your own understanding.
"""

import jax, jax.numpy as jnp
import numpy as np

N = 10000
E = 160000
D = 256


def _graph_conv(x, src, dst, W, b, n_nodes):
    # DGL GraphConv with norm='both':
    # h = relu( D_in^{-1/2} * A^T * (D_out^{-1/2} * x) @ W + b )
    ones = jnp.ones((src.shape[0],), dtype=x.dtype)
    deg_out = jax.ops.segment_sum(ones, src, num_segments=n_nodes)
    deg_in = jax.ops.segment_sum(ones, dst, num_segments=n_nodes)
    deg_out = jnp.maximum(deg_out, 1.0)
    deg_in = jnp.maximum(deg_in, 1.0)
    h = x * (deg_out ** -0.5)[:, None]
    # mult W first when in_feats >= out_feats (fewer flops); math is identical
    h = h @ W
    msgs = jnp.take(h, src, axis=0)
    agg = jax.ops.segment_sum(msgs, dst, num_segments=n_nodes)
    agg = agg * (deg_in ** -0.5)[:, None]
    return jax.nn.relu(agg + b)


def setup_inputs(seed: int = 0) -> dict:
    key = jax.random.key(seed)
    k1, k2, k3, k4 = jax.random.split(key, 4)
    features = jax.random.normal(k1, (N, D), dtype=jnp.float32)
    edge_index = jax.random.randint(k2, (2, E), 0, N, dtype=jnp.int32)
    glorot = 1.0 / np.sqrt(D)
    W1 = jax.random.uniform(k3, (D, D), dtype=jnp.float32, minval=-glorot, maxval=glorot)
    b1 = jnp.zeros((D,), dtype=jnp.float32)
    W2 = jax.random.uniform(k4, (D, D), dtype=jnp.float32, minval=-glorot, maxval=glorot)
    b2 = jnp.zeros((D,), dtype=jnp.float32)
    return {"features": features, "edge_index": edge_index, "W1": W1, "b1": b1, "W2": W2, "b2": b2}


def reference(features, edge_index, W1, b1, W2, b2):
    # eval-mode: nn.Dropout(0.5) is identity
    src = edge_index[0]
    dst = edge_index[1]
    h = _graph_conv(features, src, dst, W1, b1, N)
    h = _graph_conv(h, src, dst, W2, b2, N)
    return h

if __name__ == "__main__":
    import jax
    _d = setup_inputs()
    print(jax.jit(kernel)(*tuple(_d.values())))

</pallas_src>

<mosaic_0001>
#map = affine_map<(d0, d1) -> (0, 0)>
#map1 = affine_map<(d0, d1) -> (0)>
module attributes {stable_mosaic.version = 14 : i64} {
  func.func @_edge_kernel(%arg0: i32, %arg1: i32, %arg2: memref<20480x128xf32, #tpu.memory_space<hbm>>, %arg3: memref<163840xi32, #tpu.memory_space<hbm>>, %arg4: memref<163840xi32, #tpu.memory_space<hbm>>, %arg5: memref<20480x128xf32, #tpu.memory_space<hbm>>, %arg6: memref<10240xi32, #tpu.memory_space<vmem>>, %arg7: memref<128xi32, #tpu.memory_space<vmem>>, %arg8: memref<128xi32, #tpu.memory_space<vmem>>, %arg9: memref<128x128xf32, #tpu.memory_space<vmem>>, %arg10: memref<128x128xf32, #tpu.memory_space<vmem>>, %arg11: memref<10240x128xf32, #tpu.memory_space<vmem_shared>>, %arg12: memref<!tpu.dma_semaphore, #tpu.memory_space<semaphore_mem>>, %arg13: memref<!tpu.dma_semaphore, #tpu.memory_space<semaphore_mem>>, %arg14: memref<!tpu.dma_semaphore, #tpu.memory_space<semaphore_mem>>, %arg15: memref<!tpu.dma_semaphore, #tpu.memory_space<semaphore_mem>>) attributes {dimension_semantics = [#tpu.dimension_semantics<core_parallel>, #tpu.dimension_semantics<subcore_parallel>], iteration_bounds = array<i64: 2, 16>, scalar_prefetch = 0 : i64, scratch_operands = 10 : i64, tpu.core_type = #tpu.core_type<sc_vector_subcore>, window_params = [{transform_indices = #map}, {transform_indices = #map1}, {transform_indices = #map1}, {transform_indices = #map}]} {
    %mul3A = arith.constant 10240 : i32
    %mul3A_0 = arith.muli %arg0, %mul3A : i32
    %mul3A_1 = arith.constant 10240 : i32
    %mul3A_2 = arith.muli %arg1, %mul3A_1 : i32
    "tpu.region"() ({
      %run_scoped3A = tpu.sem_alloc : memref<!tpu.dma_semaphore, #tpu.memory_space<semaphore_mem>>
      %dma_start3A_87 = tpu.memref_slice %arg3[%mul3A_2] : memref<163840xi32, #tpu.memory_space<hbm>> -> memref<10240xi32, #tpu.memory_space<hbm>>
      %dma_start3A_88 = tpu.memref_slice %arg3[%mul3A_2] : memref<163840xi32, #tpu.memory_space<hbm>> -> memref<10240xi32, #tpu.memory_space<hbm>>
      tpu.enqueue_dma source(%dma_start3A_88 : memref<10240xi32, #tpu.memory_space<hbm>>) target(%arg6 : memref<10240xi32, #tpu.memory_space<vmem>>) target_semaphore(%run_scoped3A : memref<!tpu.dma_semaphore, #tpu.memory_space<semaphore_mem>>)
      %dma_wait3A_89 = tpu.memref_slice %arg3[%mul3A_2] : memref<163840xi32, #tpu.memory_space<hbm>> -> memref<10240xi32, #tpu.memory_space<hbm>>
      %dma_wait3A_90 = tpu.memref_slice %arg3[%mul3A_2] : memref<163840xi32, #tpu.memory_space<hbm>> -> memref<10240xi32, #tpu.memory_space<hbm>>
      tpu.wait_dma2 semaphore(%run_scoped3A : memref<!tpu.dma_semaphore, #tpu.memory_space<semaphore_mem>>) src(%dma_wait3A_90 : memref<10240xi32, #tpu.memory_space<hbm>>) dst(%arg6 : memref<10240xi32, #tpu.memory_space<vmem>>)
      tpu.yield
    }) : () -> ()
    %scan3A = arith.constant 0 : i32
    %scan3A_3 = arith.constant 0 : i32
    %scan3A_4 = arith.constant 640 : i32
    %scan3A_5 = arith.addi %scan3A_3, %scan3A_4 : i32
    %scan3A_6 = arith.constant 1 : i32
    %scan3A_7 = scf.for %scan3A_87 = %scan3A_3 to %scan3A_5 step %scan3A_6 iter_args(%scan3A_88 = %scan3A) -> (i32)  : i32 {
      %mul3A_89 = arith.constant 16 : i32
      %mul3A_90 = arith.muli %scan3A_87, %mul3A_89 : i32
      %get3A = arith.index_cast %mul3A_90 : i32 to index
      %get3A_91 = tpu.vector_load %arg6[%get3A] {strides = array<i32>} : memref<10240xi32, #tpu.memory_space<vmem>>, vector<16xi32>,
      %get3A_92 = vector.shape_cast %get3A_91 : vector<16xi32> to vector<16xi32>
      %add3A_93 = vector.broadcast %mul3A_0 : i32 to vector<16xi32>
      %add3A_94 = arith.addi %get3A_92, %add3A_93 : vector<16xi32>
      %mul3A_95 = arith.constant 16 : i32
      %mul3A_96 = arith.muli %scan3A_87, %mul3A_95 : i32
      %swap3A = arith.index_cast %mul3A_96 : i32 to index
      %swap3A_97 = tpu.vector_load %arg6[%swap3A] {strides = array<i32>} : memref<10240xi32, #tpu.memory_space<vmem>>, vector<16xi32>,
      %swap3A_98 = vector.shape_cast %swap3A_97 : vector<16xi32> to vector<16xi32>
      %swap3A_99 = vector.shape_cast %add3A_94 : vector<16xi32> to vector<16xi32>
      tpu.vector_store %arg6[%swap3A], %swap3A_99 {strides = array<i32>} : memref<10240xi32, #tpu.memory_space<vmem>>, vector<16xi32>,
      %scan3A_100 = arith.constant 0 : i32
      scf.yield %scan3A_100 : i32
    }
    %scan3A_8 = arith.constant 640 : i32
    %broadcast_in_dim3A = arith.constant 0.000000e+00 : f32
    %broadcast_in_dim3A_9 = vector.broadcast %broadcast_in_dim3A : f32 to vector<16xf32>
    %scan3A_10 = arith.constant 0 : i32
    %scan3A_11 = arith.constant 0 : i32
    %scan3A_12 = arith.constant 128 : i32
    %scan3A_13 = arith.addi %scan3A_11, %scan3A_12 : i32
    %scan3A_14 = arith.constant 1 : i32
    %scan3A_15 = scf.for %scan3A_87 = %scan3A_11 to %scan3A_13 step %scan3A_14 iter_args(%scan3A_88 = %scan3A_10) -> (i32)  : i32 {
      %swap3A = arith.index_cast %scan3A_87 : i32 to index
      %swap3A_89 = arith.constant 0 : index
      %swap3A_90 = tpu.vector_load %arg9[%swap3A, %swap3A_89] {strides = array<i32>} : memref<128x128xf32, #tpu.memory_space<vmem>>, vector<1x16xf32>,
      %swap3A_91 = vector.shape_cast %swap3A_90 : vector<1x16xf32> to vector<16xf32>
      %swap3A_92 = vector.shape_cast %broadcast_in_dim3A_9 : vector<16xf32> to vector<1x16xf32>
      tpu.vector_store %arg9[%swap3A, %swap3A_89], %swap3A_92 {strides = array<i32>} : memref<128x128xf32, #tpu.memory_space<vmem>>, vector<1x16xf32>,
      %swap3A_93 = arith.index_cast %scan3A_87 : i32 to index
      %swap3A_94 = arith.constant 16 : index
      %swap3A_95 = tpu.vector_load %arg9[%swap3A_93, %swap3A_94] {strides = array<i32>} : memref<128x128xf32, #tpu.memory_space<vmem>>, vector<1x16xf32>,
      %swap3A_96 = vector.shape_cast %swap3A_95 : vector<1x16xf32> to vector<16xf32>
      %swap3A_97 = vector.shape_cast %broadcast_in_dim3A_9 : vector<16xf32> to vector<1x16xf32>
      tpu.vector_store %arg9[%swap3A_93, %swap3A_94], %swap3A_97 {strides = array<i32>} : memref<128x128xf32, #tpu.memory_space<vmem>>, vector<1x16xf32>,
      %swap3A_98 = arith.index_cast %scan3A_87 : i32 to index
      %swap3A_99 = arith.constant 32 : index
      %swap3A_100 = tpu.vector_load %arg9[%swap3A_98, %swap3A_99] {strides = array<i32>} : memref<128x128xf32, #tpu.memory_space<vmem>>, vector<1x16xf32>,
      %swap3A_101 = vector.shape_cast %swap3A_100 : vector<1x16xf32> to vector<16xf32>
      %swap3A_102 = vector.shape_cast %broadcast_in_dim3A_9 : vector<16xf32> to vector<1x16xf32>
      tpu.vector_store %arg9[%swap3A_98, %swap3A_99], %swap3A_102 {strides = array<i32>} : memref<128x128xf32, #tpu.memory_space<vmem>>, vector<1x16xf32>,
      %swap3A_103 = arith.index_cast %scan3A_87 : i32 to index
      %swap3A_104 = arith.constant 48 : index
      %swap3A_105 = tpu.vector_load %arg9[%swap3A_103, %swap3A_104] {strides = array<i32>} : memref<128x128xf32, #tpu.memory_space<vmem>>, vector<1x16xf32>,
      %swap3A_106 = vector.shape_cast %swap3A_105 : vector<1x16xf32> to vector<16xf32>
      %swap3A_107 = vector.shape_cast %broadcast_in_dim3A_9 : vector<16xf32> to vector<1x16xf32>
      tpu.vector_store %arg9[%swap3A_103, %swap3A_104], %swap3A_107 {strides = array<i32>} : memref<128x128xf32, #tpu.memory_space<vmem>>, vector<1x16xf32>,
      %swap3A_108 = arith.index_cast %scan3A_87 : i32 to index
      %swap3A_109 = arith.constant 64 : index
      %swap3A_110 = tpu.vector_load %arg9[%swap3A_108, %swap3A_109] {strides = array<i32>} : memref<128x128xf32, #tpu.memory_space<vmem>>, vector<1x16xf32>,
      %swap3A_111 = vector.shape_cast %swap3A_110 : vector<1x16xf32> to vector<16xf32>
      %swap3A_112 = vector.shape_cast %broadcast_in_dim3A_9 : vector<16xf32> to vector<1x16xf32>
      tpu.vector_store %arg9[%swap3A_108, %swap3A_109], %swap3A_112 {strides = array<i32>} : memref<128x128xf32, #tpu.memory_space<vmem>>, vector<1x16xf32>,
      %swap3A_113 = arith.index_cast %scan3A_87 : i32 to index
      %swap3A_114 = arith.constant 80 : index
      %swap3A_115 = tpu.vector_load %arg9[%swap3A_113, %swap3A_114] {strides = array<i32>} : memref<128x128xf32, #tpu.memory_space<vmem>>, vector<1x16xf32>,
      %swap3A_116 = vector.shape_cast %swap3A_115 : vector<1x16xf32> to vector<16xf32>
      %swap3A_117 = vector.shape_cast %broadcast_in_dim3A_9 : vector<16xf32> to vector<1x16xf32>
      tpu.vector_store %arg9[%swap3A_113, %swap3A_114], %swap3A_117 {strides = array<i32>} : memref<128x128xf32, #tpu.memory_space<vmem>>, vector<1x16xf32>,
      %swap3A_118 = arith.index_cast %scan3A_87 : i32 to index
      %swap3A_119 = arith.constant 96 : index
      %swap3A_120 = tpu.vector_load %arg9[%swap3A_118, %swap3A_119] {strides = array<i32>} : memref<128x128xf32, #tpu.memory_space<vmem>>, vector<1x16xf32>,
      %swap3A_121 = vector.shape_cast %swap3A_120 : vector<1x16xf32> to vector<16xf32>
      %swap3A_122 = vector.shape_cast %broadcast_in_dim3A_9 : vector<16xf32> to vector<1x16xf32>
      tpu.vector_store %arg9[%swap3A_118, %swap3A_119], %swap3A_122 {strides = array<i32>} : memref<128x128xf32, #tpu.memory_space<vmem>>, vector<1x16xf32>,
      %swap3A_123 = arith.index_cast %scan3A_87 : i32 to index
      %swap3A_124 = arith.constant 112 : index
      %swap3A_125 = tpu.vector_load %arg9[%swap3A_123, %swap3A_124] {strides = array<i32>} : memref<128x128xf32, #tpu.memory_space<vmem>>, vector<1x16xf32>,
      %swap3A_126 = vector.shape_cast %swap3A_125 : vector<1x16xf32> to vector<16xf32>
      %swap3A_127 = vector.shape_cast %broadcast_in_dim3A_9 : vector<16xf32> to vector<1x16xf32>
      tpu.vector_store %arg9[%swap3A_123, %swap3A_124], %swap3A_127 {strides = array<i32>} : memref<128x128xf32, #tpu.memory_space<vmem>>, vector<1x16xf32>,
      %scan3A_128 = arith.constant 0 : i32
      scf.yield %scan3A_128 : i32
    }
    %scan3A_16 = arith.constant 128 : i32
    %mul3A_17 = arith.constant 640 : i32
    %mul3A_18 = arith.muli %arg1, %mul3A_17 : i32
    %add3A = arith.constant 0 : i32
    %add3A_19 = arith.addi %mul3A_18, %add3A : i32
    "tpu.region"() ({
      %run_scoped3A = tpu.sem_alloc : memref<!tpu.dma_semaphore, #tpu.memory_space<semaphore_mem>>
      %dma_start3A_87 = arith.constant 0 : i32
      %dma_start3A_88 = tpu.memref_slice %arg11[%add3A_19, %dma_start3A_87] : memref<10240x128xf32, #tpu.memory_space<vmem_shared>> -> memref<128x128xf32, #tpu.memory_space<vmem_shared>>
      %dma_start3A_89 = arith.constant 0 : i32
      %dma_start3A_90 = tpu.memref_slice %arg11[%add3A_19, %dma_start3A_89] : memref<10240x128xf32, #tpu.memory_space<vmem_shared>> -> memref<128x128xf32, #tpu.memory_space<vmem_shared>>
      tpu.enqueue_dma source(%arg9 : memref<128x128xf32, #tpu.memory_space<vmem>>) target(%dma_start3A_90 : memref<128x128xf32, #tpu.memory_space<vmem_shared>>) target_semaphore(%run_scoped3A : memref<!tpu.dma_semaphore, #tpu.memory_space<semaphore_mem>>)
      %dma_wait3A_91 = arith.constant 0 : i32
      %dma_wait3A_92 = tpu.memref_slice %arg11[%add3A_19, %dma_wait3A_91] : memref<10240x128xf32, #tpu.memory_space<vmem_shared>> -> memref<128x128xf32, #tpu.memory_space<vmem_shared>>
      %dma_wait3A_93 = arith.constant 0 : i32
      %dma_wait3A_94 = tpu.memref_slice %arg11[%add3A_19, %dma_wait3A_93] : memref<10240x128xf32, #tpu.memory_space<vmem_shared>> -> memref<128x128xf32, #tpu.memory_space<vmem_shared>>
      tpu.wait_dma2 semaphore(%run_scoped3A : memref<!tpu.dma_semaphore, #tpu.memory_space<semaphore_mem>>) src(%arg9 : memref<128x128xf32, #tpu.memory_space<vmem>>) dst(%dma_wait3A_94 : memref<128x128xf32, #tpu.memory_space<vmem_shared>>)
      tpu.yield
    }) : () -> ()
    %mul3A_20 = arith.constant 640 : i32
    %mul3A_21 = arith.muli %arg1, %mul3A_20 : i32
    %add3A_22 = arith.constant 128 : i32
    %add3A_23 = arith.addi %mul3A_21, %add3A_22 : i32
    "tpu.region"() ({
      %run_scoped3A = tpu.sem_alloc : memref<!tpu.dma_semaphore, #tpu.memory_space<semaphore_mem>>
      %dma_start3A_87 = arith.constant 0 : i32
      %dma_start3A_88 = tpu.memref_slice %arg11[%add3A_23, %dma_start3A_87] : memref<10240x128xf32, #tpu.memory_space<vmem_shared>> -> memref<128x128xf32, #tpu.memory_space<vmem_shared>>
      %dma_start3A_89 = arith.constant 0 : i32
      %dma_start3A_90 = tpu.memref_slice %arg11[%add3A_23, %dma_start3A_89] : memref<10240x128xf32, #tpu.memory_space<vmem_shared>> -> memref<128x128xf32, #tpu.memory_space<vmem_shared>>
      tpu.enqueue_dma source(%arg9 : memref<128x128xf32, #tpu.memory_space<vmem>>) target(%dma_start3A_90 : memref<128x128xf32, #tpu.memory_space<vmem_shared>>) target_semaphore(%run_scoped3A : memref<!tpu.dma_semaphore, #tpu.memory_space<semaphore_mem>>)
      %dma_wait3A_91 = arith.constant 0 : i32
      %dma_wait3A_92 = tpu.memref_slice %arg11[%add3A_23, %dma_wait3A_91] : memref<10240x128xf32, #tpu.memory_space<vmem_shared>> -> memref<128x128xf32, #tpu.memory_space<vmem_shared>>
      %dma_wait3A_93 = arith.constant 0 : i32
      %dma_wait3A_94 = tpu.memref_slice %arg11[%add3A_23, %dma_wait3A_93] : memref<10240x128xf32, #tpu.memory_space<vmem_shared>> -> memref<128x128xf32, #tpu.memory_space<vmem_shared>>
      tpu.wait_dma2 semaphore(%run_scoped3A : memref<!tpu.dma_semaphore, #tpu.memory_space<semaphore_mem>>) src(%arg9 : memref<128x128xf32, #tpu.memory_space<vmem>>) dst(%dma_wait3A_94 : memref<128x128xf32, #tpu.memory_space<vmem_shared>>)
      tpu.yield
    }) : () -> ()
    %mul3A_24 = arith.constant 640 : i32
    %mul3A_25 = arith.muli %arg1, %mul3A_24 : i32
    %add3A_26 = arith.constant 256 : i32
    %add3A_27 = arith.addi %mul3A_25, %add3A_26 : i32
    "tpu.region"() ({
      %run_scoped3A = tpu.sem_alloc : memref<!tpu.dma_semaphore, #tpu.memory_space<semaphore_mem>>
      %dma_start3A_87 = arith.constant 0 : i32
      %dma_start3A_88 = tpu.memref_slice %arg11[%add3A_27, %dma_start3A_87] : memref<10240x128xf32, #tpu.memory_space<vmem_shared>> -> memref<128x128xf32, #tpu.memory_space<vmem_shared>>
      %dma_start3A_89 = arith.constant 0 : i32
      %dma_start3A_90 = tpu.memref_slice %arg11[%add3A_27, %dma_start3A_89] : memref<10240x128xf32, #tpu.memory_space<vmem_shared>> -> memref<128x128xf32, #tpu.memory_space<vmem_shared>>
      tpu.enqueue_dma source(%arg9 : memref<128x128xf32, #tpu.memory_space<vmem>>) target(%dma_start3A_90 : memref<128x128xf32, #tpu.memory_space<vmem_shared>>) target_semaphore(%run_scoped3A : memref<!tpu.dma_semaphore, #tpu.memory_space<semaphore_mem>>)
      %dma_wait3A_91 = arith.constant 0 : i32
      %dma_wait3A_92 = tpu.memref_slice %arg11[%add3A_27, %dma_wait3A_91] : memref<10240x128xf32, #tpu.memory_space<vmem_shared>> -> memref<128x128xf32, #tpu.memory_space<vmem_shared>>
      %dma_wait3A_93 = arith.constant 0 : i32
      %dma_wait3A_94 = tpu.memref_slice %arg11[%add3A_27, %dma_wait3A_93] : memref<10240x128xf32, #tpu.memory_space<vmem_shared>> -> memref<128x128xf32, #tpu.memory_space<vmem_shared>>
      tpu.wait_dma2 semaphore(%run_scoped3A : memref<!tpu.dma_semaphore, #tpu.memory_space<semaphore_mem>>) src(%arg9 : memref<128x128xf32, #tpu.memory_space<vmem>>) dst(%dma_wait3A_94 : memref<128x128xf32, #tpu.memory_space<vmem_shared>>)
      tpu.yield
    }) : () -> ()
    %mul3A_28 = arith.constant 640 : i32
    %mul3A_29 = arith.muli %arg1, %mul3A_28 : i32
    %add3A_30 = arith.constant 384 : i32
    %add3A_31 = arith.addi %mul3A_29, %add3A_30 : i32
    "tpu.region"() ({
      %run_scoped3A = tpu.sem_alloc : memref<!tpu.dma_semaphore, #tpu.memory_space<semaphore_mem>>
      %dma_start3A_87 = arith.constant 0 : i32
      %dma_start3A_88 = tpu.memref_slice %arg11[%add3A_31, %dma_start3A_87] : memref<10240x128xf32, #tpu.memory_space<vmem_shared>> -> memref<128x128xf32, #tpu.memory_space<vmem_shared>>
      %dma_start3A_89 = arith.constant 0 : i32
      %dma_start3A_90 = tpu.memref_slice %arg11[%add3A_31, %dma_start3A_89] : memref<10240x128xf32, #tpu.memory_space<vmem_shared>> -> memref<128x128xf32, #tpu.memory_space<vmem_shared>>
      tpu.enqueue_dma source(%arg9 : memref<128x128xf32, #tpu.memory_space<vmem>>) target(%dma_start3A_90 : memref<128x128xf32, #tpu.memory_space<vmem_shared>>) target_semaphore(%run_scoped3A : memref<!tpu.dma_semaphore, #tpu.memory_space<semaphore_mem>>)
      %dma_wait3A_91 = arith.constant 0 : i32
      %dma_wait3A_92 = tpu.memref_slice %arg11[%add3A_31, %dma_wait3A_91] : memref<10240x128xf32, #tpu.memory_space<vmem_shared>> -> memref<128x128xf32, #tpu.memory_space<vmem_shared>>
      %dma_wait3A_93 = arith.constant 0 : i32
      %dma_wait3A_94 = tpu.memref_slice %arg11[%add3A_31, %dma_wait3A_93] : memref<10240x128xf32, #tpu.memory_space<vmem_shared>> -> memref<128x128xf32, #tpu.memory_space<vmem_shared>>
      tpu.wait_dma2 semaphore(%run_scoped3A : memref<!tpu.dma_semaphore, #tpu.memory_space<semaphore_mem>>) src(%arg9 : memref<128x128xf32, #tpu.memory_space<vmem>>) dst(%dma_wait3A_94 : memref<128x128xf32, #tpu.memory_space<vmem_shared>>)
      tpu.yield
    }) : () -> ()
    %mul3A_32 = arith.constant 640 : i32
    %mul3A_33 = arith.muli %arg1, %mul3A_32 : i32
    %add3A_34 = arith.constant 512 : i32
    %add3A_35 = arith.addi %mul3A_33, %add3A_34 : i32
    "tpu.region"() ({
      %run_scoped3A = tpu.sem_alloc : memref<!tpu.dma_semaphore, #tpu.memory_space<semaphore_mem>>
      %dma_start3A_87 = arith.constant 0 : i32
      %dma_start3A_88 = tpu.memref_slice %arg11[%add3A_35, %dma_start3A_87] : memref<10240x128xf32, #tpu.memory_space<vmem_shared>> -> memref<128x128xf32, #tpu.memory_space<vmem_shared>>
      %dma_start3A_89 = arith.constant 0 : i32
      %dma_start3A_90 = tpu.memref_slice %arg11[%add3A_35, %dma_start3A_89] : memref<10240x128xf32, #tpu.memory_space<vmem_shared>> -> memref<128x128xf32, #tpu.memory_space<vmem_shared>>
      tpu.enqueue_dma source(%arg9 : memref<128x128xf32, #tpu.memory_space<vmem>>) target(%dma_start3A_90 : memref<128x128xf32, #tpu.memory_space<vmem_shared>>) target_semaphore(%run_scoped3A : memref<!tpu.dma_semaphore, #tpu.memory_space<semaphore_mem>>)
      %dma_wait3A_91 = arith.constant 0 : i32
      %dma_wait3A_92 = tpu.memref_slice %arg11[%add3A_35, %dma_wait3A_91] : memref<10240x128xf32, #tpu.memory_space<vmem_shared>> -> memref<128x128xf32, #tpu.memory_space<vmem_shared>>
      %dma_wait3A_93 = arith.constant 0 : i32
      %dma_wait3A_94 = tpu.memref_slice %arg11[%add3A_35, %dma_wait3A_93] : memref<10240x128xf32, #tpu.memory_space<vmem_shared>> -> memref<128x128xf32, #tpu.memory_space<vmem_shared>>
      tpu.wait_dma2 semaphore(%run_scoped3A : memref<!tpu.dma_semaphore, #tpu.memory_space<semaphore_mem>>) src(%arg9 : memref<128x128xf32, #tpu.memory_space<vmem>>) dst(%dma_wait3A_94 : memref<128x128xf32, #tpu.memory_space<vmem_shared>>)
      tpu.yield
    }) : () -> ()
    %barrier3A = arith.constant 0 : index
    tpu.barrier barrier_id(%barrier3A)
    %add3A_36 = arith.constant 0 : i32
    %add3A_37 = arith.addi %mul3A_2, %add3A_36 : i32
    %dma_start3A = tpu.memref_slice %arg4[%add3A_37] : memref<163840xi32, #tpu.memory_space<hbm>> -> memref<128xi32, #tpu.memory_space<hbm>>
    %dma_start3A_38 = tpu.memref_slice %arg4[%add3A_37] : memref<163840xi32, #tpu.memory_space<hbm>> -> memref<128xi32, #tpu.memory_space<hbm>>
    tpu.enqueue_dma source(%dma_start3A_38 : memref<128xi32, #tpu.memory_space<hbm>>) target(%arg7 : memref<128xi32, #tpu.memory_space<vmem>>) target_semaphore(%arg12 : memref<!tpu.dma_semaphore, #tpu.memory_space<semaphore_mem>>)
    %add3A_39 = arith.constant 128 : i32
    %add3A_40 = arith.addi %mul3A_2, %add3A_39 : i32
    %dma_start3A_41 = tpu.memref_slice %arg4[%add3A_40] : memref<163840xi32, #tpu.memory_space<hbm>> -> memref<128xi32, #tpu.memory_space<hbm>>
    %dma_start3A_42 = tpu.memref_slice %arg4[%add3A_40] : memref<163840xi32, #tpu.memory_space<hbm>> -> memref<128xi32, #tpu.memory_space<hbm>>
    tpu.enqueue_dma source(%dma_start3A_42 : memref<128xi32, #tpu.memory_space<hbm>>) target(%arg8 : memref<128xi32, #tpu.memory_space<vmem>>) target_semaphore(%arg13 : memref<!tpu.dma_semaphore, #tpu.memory_space<semaphore_mem>>)
    %dma_start3A_43 = arith.constant 0 : i32
    %dma_start3A_44 = tpu.memref_slice %arg6[%dma_start3A_43] : memref<10240xi32, #tpu.memory_space<vmem>> -> memref<128xi32, #tpu.memory_space<vmem>>
    %dma_start3A_45 = arith.constant 0 : i32
    %dma_start3A_46 = arith.constant 0 : i32
    %dma_start3A_47 = tpu.memref_slice %arg2[%dma_start3A_45, %dma_start3A_46] : memref<20480x128xf32, #tpu.memory_space<hbm>> -> memref<20480x128xf32, #tpu.memory_space<hbm>>
    tpu.enqueue_indirect_dma source(%dma_start3A_47 : memref<20480x128xf32, #tpu.memory_space<hbm>>) target(%arg9 : memref<128x128xf32, #tpu.memory_space<vmem>>) offsets(%dma_start3A_44 : memref<128xi32, #tpu.memory_space<vmem>>) semaphore(%arg14 : memref<!tpu.dma_semaphore, #tpu.memory_space<semaphore_mem>>)
    %scan3A_48 = arith.constant 0 : i32
    %scan3A_49 = arith.constant 0 : i32
    %scan3A_50 = arith.constant 39 : i32
    %scan3A_51 = arith.addi %scan3A_49, %scan3A_50 : i32
    %scan3A_52 = arith.constant 1 : i32
    %scan3A_53 = scf.for %scan3A_87 = %scan3A_49 to %scan3A_51 step %scan3A_52 iter_args(%scan3A_88 = %scan3A_48) -> (i32)  : i32 {
      %mul3A_89 = arith.constant 2 : i32
      %mul3A_90 = arith.muli %mul3A_89, %scan3A_87 : i32
      %dma_wait3A_91 = arith.constant 0 : i32
      %dma_wait3A_92 = arith.constant 0 : i32
      %dma_wait3A_93 = tpu.memref_slice %arg2[%dma_wait3A_91, %dma_wait3A_92] : memref<20480x128xf32, #tpu.memory_space<hbm>> -> memref<128x128xf32, #tpu.memory_space<hbm>>
      %dma_wait3A_94 = arith.constant 0 : i32
      %dma_wait3A_95 = arith.constant 0 : i32
      %dma_wait3A_96 = tpu.memref_slice %arg2[%dma_wait3A_94, %dma_wait3A_95] : memref<20480x128xf32, #tpu.memory_space<hbm>> -> memref<128x128xf32, #tpu.memory_space<hbm>>
      tpu.wait_dma2 semaphore(%arg14 : memref<!tpu.dma_semaphore, #tpu.memory_space<semaphore_mem>>) src(%dma_wait3A_96 : memref<128x128xf32, #tpu.memory_space<hbm>>) dst(%arg9 : memref<128x128xf32, #tpu.memory_space<vmem>>)
      %add3A_97 = arith.constant 1 : i32
      %add3A_98 = arith.addi %mul3A_90, %add3A_97 : i32
      %mul3A_99 = arith.constant 128 : i32
      %mul3A_100 = arith.muli %add3A_98, %mul3A_99 : i32
      %dma_start3A_101 = tpu.memref_slice %arg6[%mul3A_100] : memref<10240xi32, #tpu.memory_space<vmem>> -> memref<128xi32, #tpu.memory_space<vmem>>
      %dma_start3A_102 = arith.constant 0 : i32
      %dma_start3A_103 = arith.constant 0 : i32
      %dma_start3A_104 = tpu.memref_slice %arg2[%dma_start3A_102, %dma_start3A_103] : memref<20480x128xf32, #tpu.memory_space<hbm>> -> memref<20480x128xf32, #tpu.memory_space<hbm>>
      tpu.enqueue_indirect_dma source(%dma_start3A_104 : memref<20480x128xf32, #tpu.memory_space<hbm>>) target(%arg10 : memref<128x128xf32, #tpu.memory_space<vmem>>) offsets(%dma_start3A_101 : memref<128xi32, #tpu.memory_space<vmem>>) semaphore(%arg15 : memref<!tpu.dma_semaphore, #tpu.memory_space<semaphore_mem>>)
      %dma_wait3A_105 = arith.constant 0 : i32
      %dma_wait3A_106 = tpu.memref_slice %arg4[%dma_wait3A_105] : memref<163840xi32, #tpu.memory_space<hbm>> -> memref<128xi32, #tpu.memory_space<hbm>>
      %dma_wait3A_107 = arith.constant 0 : i32
      %dma_wait3A_108 = tpu.memref_slice %arg4[%dma_wait3A_107] : memref<163840xi32, #tpu.memory_space<hbm>> -> memref<128xi32, #tpu.memory_space<hbm>>
      tpu.wait_dma2 semaphore(%arg12 : memref<!tpu.dma_semaphore, #tpu.memory_space<semaphore_mem>>) src(%dma_wait3A_108 : memref<128xi32, #tpu.memory_space<hbm>>) dst(%arg7 : memref<128xi32, #tpu.memory_space<vmem>>)
      "tpu.region"() ({
        %run_scoped3A = tpu.sem_alloc : memref<!tpu.dma_semaphore, #tpu.memory_space<semaphore_mem>>
        %dma_start3A_142 = arith.constant 0 : i32
        %dma_start3A_143 = arith.constant 0 : i32
        %dma_start3A_144 = tpu.memref_slice %arg11[%dma_start3A_142, %dma_start3A_143] : memref<10240x128xf32, #tpu.memory_space<vmem_shared>> -> memref<10240x128xf32, #tpu.memory_space<vmem_shared>>
        tpu.enqueue_indirect_dma source(%arg9 : memref<128x128xf32, #tpu.memory_space<vmem>>) target(%dma_start3A_144 : memref<10240x128xf32, #tpu.memory_space<vmem_shared>>) offsets(%arg7 : memref<128xi32, #tpu.memory_space<vmem>>) semaphore(%run_scoped3A : memref<!tpu.dma_semaphore, #tpu.memory_space<semaphore_mem>>) {add = true}
        %dma_wait3A_145 = arith.constant 0 : i32
        %dma_wait3A_146 = arith.constant 0 : i32
        %dma_wait3A_147 = tpu.memref_slice %arg11[%dma_wait3A_145, %dma_wait3A_146] : memref<10240x128xf32, #tpu.memory_space<vmem_shared>> -> memref<10240x128xf32, #tpu.memory_space<vmem_shared>>
        tpu.wait_indirect_dma semaphore(%run_scoped3A : memref<!tpu.dma_semaphore, #tpu.memory_space<semaphore_mem>>) src(%arg9 : memref<128x128xf32, #tpu.memory_space<vmem>>) dst(%dma_wait3A_147 : memref<10240x128xf32, #tpu.memory_space<vmem_shared>>)
        tpu.yield
      }) : () -> ()
      %add3A_109 = arith.constant 2 : i32
      %add3A_110 = arith.addi %mul3A_90, %add3A_109 : i32
      %mul3A_111 = arith.constant 128 : i32
      %mul3A_112 = arith.muli %add3A_110, %mul3A_111 : i32
      %add3A_113 = arith.addi %mul3A_2, %mul3A_112 : i32
      %dma_start3A_114 = tpu.memref_slice %arg4[%add3A_113] : memref<163840xi32, #tpu.memory_space<hbm>> -> memref<128xi32, #tpu.memory_space<hbm>>
      %dma_start3A_115 = tpu.memref_slice %arg4[%add3A_113] : memref<163840xi32, #tpu.memory_space<hbm>> -> memref<128xi32, #tpu.memory_space<hbm>>
      tpu.enqueue_dma source(%dma_start3A_115 : memref<128xi32, #tpu.memory_space<hbm>>) target(%arg7 : memref<128xi32, #tpu.memory_space<vmem>>) target_semaphore(%arg12 : memref<!tpu.dma_semaphore, #tpu.memory_space<semaphore_mem>>)
      %dma_wait3A_116 = arith.constant 0 : i32
      %dma_wait3A_117 = arith.constant 0 : i32
      %dma_wait3A_118 = tpu.memref_slice %arg2[%dma_wait3A_116, %dma_wait3A_117] : memref<20480x128xf32, #tpu.memory_space<hbm>> -> memref<128x128xf32, #tpu.memory_space<hbm>>
      %dma_wait3A_119 = arith.constant 0 : i32
      %dma_wait3A_120 = arith.constant 0 : i32
      %dma_wait3A_121 = tpu.memref_slice %arg2[%dma_wait3A_119, %dma_wait3A_120] : memref<20480x128xf32, #tpu.memory_space<hbm>> -> memref<128x128xf32, #tpu.memory_space<hbm>>
      tpu.wait_dma2 semaphore(%arg15 : memref<!tpu.dma_semaphore, #tpu.memory_space<semaphore_mem>>) src(%dma_wait3A_121 : memref<128x128xf32, #tpu.memory_space<hbm>>) dst(%arg10 : memref<128x128xf32, #tpu.memory_space<vmem>>)
      %add3A_122 = arith.constant 2 : i32
      %add3A_123 = arith.addi %mul3A_90, %add3A_122 : i32
      %mul3A_124 = arith.constant 128 : i32
      %mul3A_125 = arith.muli %add3A_123, %mul3A_124 : i32
      %dma_start3A_126 = tpu.memref_slice %arg6[%mul3A_125] : memref<10240xi32, #tpu.memory_space<vmem>> -> memref<128xi32, #tpu.memory_space<vmem>>
      %dma_start3A_127 = arith.constant 0 : i32
      %dma_start3A_128 = arith.constant 0 : i32
      %dma_start3A_129 = tpu.memref_slice %arg2[%dma_start3A_127, %dma_start3A_128] : memref<20480x128xf32, #tpu.memory_space<hbm>> -> memref<20480x128xf32, #tpu.memory_space<hbm>>
      tpu.enqueue_indirect_dma source(%dma_start3A_129 : memref<20480x128xf32, #tpu.memory_space<hbm>>) target(%arg9 : memref<128x128xf32, #tpu.memory_space<vmem>>) offsets(%dma_start3A_126 : memref<128xi32, #tpu.memory_space<vmem>>) semaphore(%arg14 : memref<!tpu.dma_semaphore, #tpu.memory_space<semaphore_mem>>)
      %dma_wait3A_130 = arith.constant 0 : i32
      %dma_wait3A_131 = tpu.memref_slice %arg4[%dma_wait3A_130] : memref<163840xi32, #tpu.memory_space<hbm>> -> memref<128xi32, #tpu.memory_space<hbm>>
      %dma_wait3A_132 = arith.constant 0 : i32
      %dma_wait3A_133 = tpu.memref_slice %arg4[%dma_wait3A_132] : memref<163840xi32, #tpu.memory_space<hbm>> -> memref<128xi32, #tpu.memory_space<hbm>>
      tpu.wait_dma2 semaphore(%arg13 : memref<!tpu.dma_semaphore, #tpu.memory_space<semaphore_mem>>) src(%dma_wait3A_133 : memref<128xi32, #tpu.memory_space<hbm>>) dst(%arg8 : memref<128xi32, #tpu.memory_space<vmem>>)
      "tpu.region"() ({
        %run_scoped3A = tpu.sem_alloc : memref<!tpu.dma_semaphore, #tpu.memory_space<semaphore_mem>>
        %dma_start3A_142 = arith.constant 0 : i32
        %dma_start3A_143 = arith.constant 0 : i32
        %dma_start3A_144 = tpu.memref_slice %arg11[%dma_start3A_142, %dma_start3A_143] : memref<10240x128xf32, #tpu.memory_space<vmem_shared>> -> memref<10240x128xf32, #tpu.memory_space<vmem_shared>>
        tpu.enqueue_indirect_dma source(%arg10 : memref<128x128xf32, #tpu.memory_space<vmem>>) target(%dma_start3A_144 : memref<10240x128xf32, #tpu.memory_space<vmem_shared>>) offsets(%arg8 : memref<128xi32, #tpu.memory_space<vmem>>) semaphore(%run_scoped3A : memref<!tpu.dma_semaphore, #tpu.memory_space<semaphore_mem>>) {add = true}
        %dma_wait3A_145 = arith.constant 0 : i32
        %dma_wait3A_146 = arith.constant 0 : i32
        %dma_wait3A_147 = tpu.memref_slice %arg11[%dma_wait3A_145, %dma_wait3A_146] : memref<10240x128xf32, #tpu.memory_space<vmem_shared>> -> memref<10240x128xf32, #tpu.memory_space<vmem_shared>>
        tpu.wait_indirect_dma semaphore(%run_scoped3A : memref<!tpu.dma_semaphore, #tpu.memory_space<semaphore_mem>>) src(%arg10 : memref<128x128xf32, #tpu.memory_space<vmem>>) dst(%dma_wait3A_147 : memref<10240x128xf32, #tpu.memory_space<vmem_shared>>)
        tpu.yield
      }) : () -> ()
      %add3A_134 = arith.constant 3 : i32
      %add3A_135 = arith.addi %mul3A_90, %add3A_134 : i32
      %mul3A_136 = arith.constant 128 : i32
      %mul3A_137 = arith.muli %add3A_135, %mul3A_136 : i32
      %add3A_138 = arith.addi %mul3A_2, %mul3A_137 : i32
      %dma_start3A_139 = tpu.memref_slice %arg4[%add3A_138] : memref<163840xi32, #tpu.memory_space<hbm>> -> memref<128xi32, #tpu.memory_space<hbm>>
      %dma_start3A_140 = tpu.memref_slice %arg4[%add3A_138] : memref<163840xi32, #tpu.memory_space<hbm>> -> memref<128xi32, #tpu.memory_space<hbm>>
      tpu.enqueue_dma source(%dma_start3A_140 : memref<128xi32, #tpu.memory_space<hbm>>) target(%arg8 : memref<128xi32, #tpu.memory_space<vmem>>) target_semaphore(%arg13 : memref<!tpu.dma_semaphore, #tpu.memory_space<semaphore_mem>>)
      %scan3A_141 = arith.constant 0 : i32
      scf.yield %scan3A_141 : i32
    }
    %scan3A_54 = arith.constant 39 : i32
    %dma_wait3A = arith.constant 0 : i32
    %dma_wait3A_55 = arith.constant 0 : i32
    %dma_wait3A_56 = tpu.memref_slice %arg2[%dma_wait3A, %dma_wait3A_55] : memref<20480x128xf32, #tpu.memory_space<hbm>> -> memref<128x128xf32, #tpu.memory_space<hbm>>
    %dma_wait3A_57 = arith.constant 0 : i32
    %dma_wait3A_58 = arith.constant 0 : i32
    %dma_wait3A_59 = tpu.memref_slice %arg2[%dma_wait3A_57, %dma_wait3A_58] : memref<20480x128xf32, #tpu.memory_space<hbm>> -> memref<128x128xf32, #tpu.memory_space<hbm>>
    tpu.wait_dma2 semaphore(%arg14 : memref<!tpu.dma_semaphore, #tpu.memory_space<semaphore_mem>>) src(%dma_wait3A_59 : memref<128x128xf32, #tpu.memory_space<hbm>>) dst(%arg9 : memref<128x128xf32, #tpu.memory_space<vmem>>)
    %dma_start3A_60 = arith.constant 10112 : i32
    %dma_start3A_61 = tpu.memref_slice %arg6[%dma_start3A_60] : memref<10240xi32, #tpu.memory_space<vmem>> -> memref<128xi32, #tpu.memory_space<vmem>>
    %dma_start3A_62 = arith.constant 0 : i32
    %dma_start3A_63 = arith.constant 0 : i32
    %dma_start3A_64 = tpu.memref_slice %arg2[%dma_start3A_62, %dma_start3A_63] : memref<20480x128xf32, #tpu.memory_space<hbm>> -> memref<20480x128xf32, #tpu.memory_space<hbm>>
    tpu.enqueue_indirect_dma source(%dma_start3A_64 : memref<20480x128xf32, #tpu.memory_space<hbm>>) target(%arg10 : memref<128x128xf32, #tpu.memory_space<vmem>>) offsets(%dma_start3A_61 : memref<128xi32, #tpu.memory_space<vmem>>) semaphore(%arg15 : memref<!tpu.dma_semaphore, #tpu.memory_space<semaphore_mem>>)
    %dma_wait3A_65 = arith.constant 0 : i32
    %dma_wait3A_66 = tpu.memref_slice %arg4[%dma_wait3A_65] : memref<163840xi32, #tpu.memory_space<hbm>> -> memref<128xi32, #tpu.memory_space<hbm>>
    %dma_wait3A_67 = arith.constant 0 : i32
    %dma_wait3A_68 = tpu.memref_slice %arg4[%dma_wait3A_67] : memref<163840xi32, #tpu.memory_space<hbm>> -> memref<128xi32, #tpu.memory_space<hbm>>
    tpu.wait_dma2 semaphore(%arg12 : memref<!tpu.dma_semaphore, #tpu.memory_space<semaphore_mem>>) src(%dma_wait3A_68 : memref<128xi32, #tpu.memory_space<hbm>>) dst(%arg7 : memref<128xi32, #tpu.memory_space<vmem>>)
    "tpu.region"() ({
      %run_scoped3A = tpu.sem_alloc : memref<!tpu.dma_semaphore, #tpu.memory_space<semaphore_mem>>
      %dma_start3A_87 = arith.constant 0 : i32
      %dma_start3A_88 = arith.constant 0 : i32
      %dma_start3A_89 = tpu.memref_slice %arg11[%dma_start3A_87, %dma_start3A_88] : memref<10240x128xf32, #tpu.memory_space<vmem_shared>> -> memref<10240x128xf32, #tpu.memory_space<vmem_shared>>
      tpu.enqueue_indirect_dma source(%arg9 : memref<128x128xf32, #tpu.memory_space<vmem>>) target(%dma_start3A_89 : memref<10240x128xf32, #tpu.memory_space<vmem_shared>>) offsets(%arg7 : memref<128xi32, #tpu.memory_space<vmem>>) semaphore(%run_scoped3A : memref<!tpu.dma_semaphore, #tpu.memory_space<semaphore_mem>>) {add = true}
      %dma_wait3A_90 = arith.constant 0 : i32
      %dma_wait3A_91 = arith.constant 0 : i32
      %dma_wait3A_92 = tpu.memref_slice %arg11[%dma_wait3A_90, %dma_wait3A_91] : memref<10240x128xf32, #tpu.memory_space<vmem_shared>> -> memref<10240x128xf32, #tpu.memory_space<vmem_shared>>
      tpu.wait_indirect_dma semaphore(%run_scoped3A : memref<!tpu.dma_semaphore, #tpu.memory_space<semaphore_mem>>) src(%arg9 : memref<128x128xf32, #tpu.memory_space<vmem>>) dst(%dma_wait3A_92 : memref<10240x128xf32, #tpu.memory_space<vmem_shared>>)
      tpu.yield
    }) : () -> ()
    %dma_wait3A_69 = arith.constant 0 : i32
    %dma_wait3A_70 = arith.constant 0 : i32
    %dma_wait3A_71 = tpu.memref_slice %arg2[%dma_wait3A_69, %dma_wait3A_70] : memref<20480x128xf32, #tpu.memory_space<hbm>> -> memref<128x128xf32, #tpu.memory_space<hbm>>
    %dma_wait3A_72 = arith.constant 0 : i32
    %dma_wait3A_73 = arith.constant 0 : i32
    %dma_wait3A_74 = tpu.memref_slice %arg2[%dma_wait3A_72, %dma_wait3A_73] : memref<20480x128xf32, #tpu.memory_space<hbm>> -> memref<128x128xf32, #tpu.memory_space<hbm>>
    tpu.wait_dma2 semaphore(%arg15 : memref<!tpu.dma_semaphore, #tpu.memory_space<semaphore_mem>>) src(%dma_wait3A_74 : memref<128x128xf32, #tpu.memory_space<hbm>>) dst(%arg10 : memref<128x128xf32, #tpu.memory_space<vmem>>)
    %dma_wait3A_75 = arith.constant 0 : i32
    %dma_wait3A_76 = tpu.memref_slice %arg4[%dma_wait3A_75] : memref<163840xi32, #tpu.memory_space<hbm>> -> memref<128xi32, #tpu.memory_space<hbm>>
    %dma_wait3A_77 = arith.constant 0 : i32
    %dma_wait3A_78 = tpu.memref_slice %arg4[%dma_wait3A_77] : memref<163840xi32, #tpu.memory_space<hbm>> -> memref<128xi32, #tpu.memory_space<hbm>>
    tpu.wait_dma2 semaphore(%arg13 : memref<!tpu.dma_semaphore, #tpu.memory_space<semaphore_mem>>) src(%dma_wait3A_78 : memref<128xi32, #tpu.memory_space<hbm>>) dst(%arg8 : memref<128xi32, #tpu.memory_space<vmem>>)
    "tpu.region"() ({
      %run_scoped3A = tpu.sem_alloc : memref<!tpu.dma_semaphore, #tpu.memory_space<semaphore_mem>>
      %dma_start3A_87 = arith.constant 0 : i32
      %dma_start3A_88 = arith.constant 0 : i32
      %dma_start3A_89 = tpu.memref_slice %arg11[%dma_start3A_87, %dma_start3A_88] : memref<10240x128xf32, #tpu.memory_space<vmem_shared>> -> memref<10240x128xf32, #tpu.memory_space<vmem_shared>>
      tpu.enqueue_indirect_dma source(%arg10 : memref<128x128xf32, #tpu.memory_space<vmem>>) target(%dma_start3A_89 : memref<10240x128xf32, #tpu.memory_space<vmem_shared>>) offsets(%arg8 : memref<128xi32, #tpu.memory_space<vmem>>) semaphore(%run_scoped3A : memref<!tpu.dma_semaphore, #tpu.memory_space<semaphore_mem>>) {add = true}
      %dma_wait3A_90 = arith.constant 0 : i32
      %dma_wait3A_91 = arith.constant 0 : i32
      %dma_wait3A_92 = tpu.memref_slice %arg11[%dma_wait3A_90, %dma_wait3A_91] : memref<10240x128xf32, #tpu.memory_space<vmem_shared>> -> memref<10240x128xf32, #tpu.memory_space<vmem_shared>>
      tpu.wait_indirect_dma semaphore(%run_scoped3A : memref<!tpu.dma_semaphore, #tpu.memory_space<semaphore_mem>>) src(%arg10 : memref<128x128xf32, #tpu.memory_space<vmem>>) dst(%dma_wait3A_92 : memref<10240x128xf32, #tpu.memory_space<vmem_shared>>)
      tpu.yield
    }) : () -> ()
    %barrier3A_79 = arith.constant 0 : index
    tpu.barrier barrier_id(%barrier3A_79)
    %mul3A_80 = arith.constant 640 : i32
    %mul3A_81 = arith.muli %arg1, %mul3A_80 : i32
    %mul3A_82 = arith.constant 10240 : i32
    %mul3A_83 = arith.muli %arg0, %mul3A_82 : i32
    %mul3A_84 = arith.constant 640 : i32
    %mul3A_85 = arith.muli %arg1, %mul3A_84 : i32
    %add3A_86 = arith.addi %mul3A_83, %mul3A_85 : i32
    "tpu.region"() ({
      %run_scoped3A = tpu.sem_alloc : memref<!tpu.dma_semaphore, #tpu.memory_space<semaphore_mem>>
      %dma_start3A_87 = arith.constant 0 : i32
      %dma_start3A_88 = tpu.memref_slice %arg5[%add3A_86, %dma_start3A_87] : memref<20480x128xf32, #tpu.memory_space<hbm>> -> memref<640x128xf32, #tpu.memory_space<hbm>>
      %dma_start3A_89 = arith.constant 0 : i32
      %dma_start3A_90 = tpu.memref_slice %arg11[%mul3A_81, %dma_start3A_89] : memref<10240x128xf32, #tpu.memory_space<vmem_shared>> -> memref<640x128xf32, #tpu.memory_space<vmem_shared>>
      tpu.enqueue_dma source(%dma_start3A_90 : memref<640x128xf32, #tpu.memory_space<vmem_shared>>) target(%dma_start3A_88 : memref<640x128xf32, #tpu.memory_space<hbm>>) target_semaphore(%run_scoped3A : memref<!tpu.dma_semaphore, #tpu.memory_space<semaphore_mem>>)
      %dma_wait3A_91 = arith.constant 0 : i32
      %dma_wait3A_92 = tpu.memref_slice %arg5[%add3A_86, %dma_wait3A_91] : memref<20480x128xf32, #tpu.memory_space<hbm>> -> memref<640x128xf32, #tpu.memory_space<hbm>>
      %dma_wait3A_93 = arith.constant 0 : i32
      %dma_wait3A_94 = tpu.memref_slice %arg11[%mul3A_81, %dma_wait3A_93] : memref<10240x128xf32, #tpu.memory_space<vmem_shared>> -> memref<640x128xf32, #tpu.memory_space<vmem_shared>>
      tpu.wait_dma2 semaphore(%run_scoped3A : memref<!tpu.dma_semaphore, #tpu.memory_space<semaphore_mem>>) src(%dma_wait3A_94 : memref<640x128xf32, #tpu.memory_space<vmem_shared>>) dst(%dma_wait3A_92 : memref<640x128xf32, #tpu.memory_space<hbm>>)
      tpu.yield
    }) : () -> ()
    return
  }
}

#map = affine_map<(d0, d1) -> (0, 0, 0)>
#map1 = affine_map<(d0, d1) -> (0, 0)>
module attributes {stable_mosaic.version = 14 : i64} {
  func.func @_deg_kernel(%arg0: i32, %arg1: i32, %arg2: memref<16x80x128xi32, #tpu.memory_space<hbm>>, %arg3: memref<16x80x128xi32, #tpu.memory_space<hbm>>, %arg4: memref<32x10240xf32, #tpu.memory_space<hbm>>, %arg5: memref<80x128xi32, #tpu.memory_space<vmem>>, %arg6: memref<10240xf32, #tpu.memory_space<vmem>>, %arg7: memref<128xf32, #tpu.memory_space<vmem>>, %arg8: memref<163840xf32, #tpu.memory_space<vmem_shared>>, %arg9: memref<!tpu.dma_semaphore, #tpu.memory_space<semaphore_mem>>) attributes {dimension_semantics = [#tpu.dimension_semantics<core_parallel>, #tpu.dimension_semantics<subcore_parallel>], iteration_bounds = array<i64: 2, 16>, scalar_prefetch = 0 : i64, scratch_operands = 5 : i64, tpu.core_type = #tpu.core_type<sc_vector_subcore>, window_params = [{transform_indices = #map}, {transform_indices = #map}, {transform_indices = #map1}]} {
    %eq3A = arith.constant 0 : i32
    %eq3A_0 = arith.cmpi eq, %arg0, %eq3A : i32
    %convert_element_type3A = arith.extui %eq3A_0 : i1 to i32
    %cond3A = arith.constant 0 : i32
    %cond3A_1 = arith.cmpi ne, %convert_element_type3A, %cond3A : i32
    scf.if %cond3A_1 {
      "tpu.region"() ({
        %run_scoped3A = tpu.sem_alloc : memref<!tpu.dma_semaphore, #tpu.memory_space<semaphore_mem>>
        %dma_start3A = arith.constant 0 : i32
        %dma_start3A_51 = arith.constant 0 : i32
        %dma_start3A_52 = tpu.memref_slice %arg2[%arg1, %dma_start3A, %dma_start3A_51] : memref<16x80x128xi32, #tpu.memory_space<hbm>> -> memref<1x80x128xi32, #tpu.memory_space<hbm>>
        %dma_start3A_53 = tpu.memref_squeeze %dma_start3A_52 : memref<1x80x128xi32, #tpu.memory_space<hbm>> -> memref<80x128xi32, #tpu.memory_space<hbm>>
        %dma_start3A_54 = arith.constant 0 : i32
        %dma_start3A_55 = arith.constant 0 : i32
        %dma_start3A_56 = tpu.memref_slice %arg2[%arg1, %dma_start3A_54, %dma_start3A_55] : memref<16x80x128xi32, #tpu.memory_space<hbm>> -> memref<1x80x128xi32, #tpu.memory_space<hbm>>
        %dma_start3A_57 = tpu.memref_squeeze %dma_start3A_56 : memref<1x80x128xi32, #tpu.memory_space<hbm>> -> memref<80x128xi32, #tpu.memory_space<hbm>>
        tpu.enqueue_dma source(%dma_start3A_57 : memref<80x128xi32, #tpu.memory_space<hbm>>) target(%arg5 : memref<80x128xi32, #tpu.memory_space<vmem>>) target_semaphore(%run_scoped3A : memref<!tpu.dma_semaphore, #tpu.memory_space<semaphore_mem>>)
        %dma_wait3A = arith.constant 0 : i32
        %dma_wait3A_58 = arith.constant 0 : i32
        %dma_wait3A_59 = tpu.memref_slice %arg2[%arg1, %dma_wait3A, %dma_wait3A_58] : memref<16x80x128xi32, #tpu.memory_space<hbm>> -> memref<1x80x128xi32, #tpu.memory_space<hbm>>
        %dma_wait3A_60 = tpu.memref_squeeze %dma_wait3A_59 : memref<1x80x128xi32, #tpu.memory_space<hbm>> -> memref<80x128xi32, #tpu.memory_space<hbm>>
        %dma_wait3A_61 = arith.constant 0 : i32
        %dma_wait3A_62 = arith.constant 0 : i32
        %dma_wait3A_63 = tpu.memref_slice %arg2[%arg1, %dma_wait3A_61, %dma_wait3A_62] : memref<16x80x128xi32, #tpu.memory_space<hbm>> -> memref<1x80x128xi32, #tpu.memory_space<hbm>>
        %dma_wait3A_64 = tpu.memref_squeeze %dma_wait3A_63 : memref<1x80x128xi32, #tpu.memory_space<hbm>> -> memref<80x128xi32, #tpu.memory_space<hbm>>
        tpu.wait_dma2 semaphore(%run_scoped3A : memref<!tpu.dma_semaphore, #tpu.memory_space<semaphore_mem>>) src(%dma_wait3A_64 : memref<80x128xi32, #tpu.memory_space<hbm>>) dst(%arg5 : memref<80x128xi32, #tpu.memory_space<vmem>>)
        tpu.yield
      }) : () -> ()
    } else {
    }
    %eq3A_2 = arith.constant 1 : i32
    %eq3A_3 = arith.cmpi eq, %arg0, %eq3A_2 : i32
    %convert_element_type3A_4 = arith.extui %eq3A_3 : i1 to i32
    %cond3A_5 = arith.constant 0 : i32
    %cond3A_6 = arith.cmpi ne, %convert_element_type3A_4, %cond3A_5 : i32
    scf.if %cond3A_6 {
      "tpu.region"() ({
        %run_scoped3A = tpu.sem_alloc : memref<!tpu.dma_semaphore, #tpu.memory_space<semaphore_mem>>
        %dma_start3A = arith.constant 0 : i32
        %dma_start3A_51 = arith.constant 0 : i32
        %dma_start3A_52 = tpu.memref_slice %arg3[%arg1, %dma_start3A, %dma_start3A_51] : memref<16x80x128xi32, #tpu.memory_space<hbm>> -> memref<1x80x128xi32, #tpu.memory_space<hbm>>
        %dma_start3A_53 = tpu.memref_squeeze %dma_start3A_52 : memref<1x80x128xi32, #tpu.memory_space<hbm>> -> memref<80x128xi32, #tpu.memory_space<hbm>>
        %dma_start3A_54 = arith.constant 0 : i32
        %dma_start3A_55 = arith.constant 0 : i32
        %dma_start3A_56 = tpu.memref_slice %arg3[%arg1, %dma_start3A_54, %dma_start3A_55] : memref<16x80x128xi32, #tpu.memory_space<hbm>> -> memref<1x80x128xi32, #tpu.memory_space<hbm>>
        %dma_start3A_57 = tpu.memref_squeeze %dma_start3A_56 : memref<1x80x128xi32, #tpu.memory_space<hbm>> -> memref<80x128xi32, #tpu.memory_space<hbm>>
        tpu.enqueue_dma source(%dma_start3A_57 : memref<80x128xi32, #tpu.memory_space<hbm>>) target(%arg5 : memref<80x128xi32, #tpu.memory_space<vmem>>) target_semaphore(%run_scoped3A : memref<!tpu.dma_semaphore, #tpu.memory_space<semaphore_mem>>)
        %dma_wait3A = arith.constant 0 : i32
        %dma_wait3A_58 = arith.constant 0 : i32
        %dma_wait3A_59 = tpu.memref_slice %arg3[%arg1, %dma_wait3A, %dma_wait3A_58] : memref<16x80x128xi32, #tpu.memory_space<hbm>> -> memref<1x80x128xi32, #tpu.memory_space<hbm>>
        %dma_wait3A_60 = tpu.memref_squeeze %dma_wait3A_59 : memref<1x80x128xi32, #tpu.memory_space<hbm>> -> memref<80x128xi32, #tpu.memory_space<hbm>>
        %dma_wait3A_61 = arith.constant 0 : i32
        %dma_wait3A_62 = arith.constant 0 : i32
        %dma_wait3A_63 = tpu.memref_slice %arg3[%arg1, %dma_wait3A_61, %dma_wait3A_62] : memref<16x80x128xi32, #tpu.memory_space<hbm>> -> memref<1x80x128xi32, #tpu.memory_space<hbm>>
        %dma_wait3A_64 = tpu.memref_squeeze %dma_wait3A_63 : memref<1x80x128xi32, #tpu.memory_space<hbm>> -> memref<80x128xi32, #tpu.memory_space<hbm>>
        tpu.wait_dma2 semaphore(%run_scoped3A : memref<!tpu.dma_semaphore, #tpu.memory_space<semaphore_mem>>) src(%dma_wait3A_64 : memref<80x128xi32, #tpu.memory_space<hbm>>) dst(%arg5 : memref<80x128xi32, #tpu.memory_space<vmem>>)
        tpu.yield
      }) : () -> ()
    } else {
    }
    %broadcast_in_dim3A = arith.constant 1.000000e+00 : f32
    %broadcast_in_dim3A_7 = vector.broadcast %broadcast_in_dim3A : f32 to vector<16xf32>
    %broadcast_in_dim3A_8 = arith.constant 0.000000e+00 : f32
    %broadcast_in_dim3A_9 = vector.broadcast %broadcast_in_dim3A_8 : f32 to vector<16xf32>
    %scan3A = arith.constant 0 : i32
    %scan3A_10 = arith.constant 0 : i32
    %scan3A_11 = arith.constant 8 : i32
    %scan3A_12 = arith.addi %scan3A_10, %scan3A_11 : i32
    %scan3A_13 = arith.constant 1 : i32
    %scan3A_14 = scf.for %scan3A_51 = %scan3A_10 to %scan3A_12 step %scan3A_13 iter_args(%scan3A_52 = %scan3A) -> (i32)  : i32 {
      %mul3A_53 = arith.constant 16 : i32
      %mul3A_54 = arith.muli %scan3A_51, %mul3A_53 : i32
      %swap3A = arith.index_cast %mul3A_54 : i32 to index
      %swap3A_55 = tpu.vector_load %arg7[%swap3A] {strides = array<i32>} : memref<128xf32, #tpu.memory_space<vmem>>, vector<16xf32>,
      %swap3A_56 = vector.shape_cast %swap3A_55 : vector<16xf32> to vector<16xf32>
      %swap3A_57 = vector.shape_cast %broadcast_in_dim3A_7 : vector<16xf32> to vector<16xf32>
      tpu.vector_store %arg7[%swap3A], %swap3A_57 {strides = array<i32>} : memref<128xf32, #tpu.memory_space<vmem>>, vector<16xf32>,
      %scan3A_58 = arith.constant 0 : i32
      scf.yield %scan3A_58 : i32
    }
    %scan3A_15 = arith.constant 8 : i32
    %scan3A_16 = arith.constant 0 : i32
    %scan3A_17 = arith.constant 0 : i32
    %scan3A_18 = arith.constant 640 : i32
    %scan3A_19 = arith.addi %scan3A_17, %scan3A_18 : i32
    %scan3A_20 = arith.constant 1 : i32
    %scan3A_21 = scf.for %scan3A_51 = %scan3A_17 to %scan3A_19 step %scan3A_20 iter_args(%scan3A_52 = %scan3A_16) -> (i32)  : i32 {
      %mul3A_53 = arith.constant 16 : i32
      %mul3A_54 = arith.muli %scan3A_51, %mul3A_53 : i32
      %swap3A = arith.index_cast %mul3A_54 : i32 to index
      %swap3A_55 = tpu.vector_load %arg6[%swap3A] {strides = array<i32>} : memref<10240xf32, #tpu.memory_space<vmem>>, vector<16xf32>,
      %swap3A_56 = vector.shape_cast %swap3A_55 : vector<16xf32> to vector<16xf32>
      %swap3A_57 = vector.shape_cast %broadcast_in_dim3A_9 : vector<16xf32> to vector<16xf32>
      tpu.vector_store %arg6[%swap3A], %swap3A_57 {strides = array<i32>} : memref<10240xf32, #tpu.memory_space<vmem>>, vector<16xf32>,
      %scan3A_58 = arith.constant 0 : i32
      scf.yield %scan3A_58 : i32
    }
    %scan3A_22 = arith.constant 640 : i32
    %mul3A = arith.constant 10240 : i32
    %mul3A_23 = arith.muli %arg1, %mul3A : i32
    "tpu.region"() ({
      %run_scoped3A = tpu.sem_alloc : memref<!tpu.dma_semaphore, #tpu.memory_space<semaphore_mem>>
      %dma_start3A = tpu.memref_slice %arg8[%mul3A_23] : memref<163840xf32, #tpu.memory_space<vmem_shared>> -> memref<10240xf32, #tpu.memory_space<vmem_shared>>
      %dma_start3A_51 = tpu.memref_slice %arg8[%mul3A_23] : memref<163840xf32, #tpu.memory_space<vmem_shared>> -> memref<10240xf32, #tpu.memory_space<vmem_shared>>
      tpu.enqueue_dma source(%arg6 : memref<10240xf32, #tpu.memory_space<vmem>>) target(%dma_start3A_51 : memref<10240xf32, #tpu.memory_space<vmem_shared>>) target_semaphore(%run_scoped3A : memref<!tpu.dma_semaphore, #tpu.memory_space<semaphore_mem>>)
      %dma_wait3A = tpu.memref_slice %arg8[%mul3A_23] : memref<163840xf32, #tpu.memory_space<vmem_shared>> -> memref<10240xf32, #tpu.memory_space<vmem_shared>>
      %dma_wait3A_52 = tpu.memref_slice %arg8[%mul3A_23] : memref<163840xf32, #tpu.memory_space<vmem_shared>> -> memref<10240xf32, #tpu.memory_space<vmem_shared>>
      tpu.wait_dma2 semaphore(%run_scoped3A : memref<!tpu.dma_semaphore, #tpu.memory_space<semaphore_mem>>) src(%arg6 : memref<10240xf32, #tpu.memory_space<vmem>>) dst(%dma_wait3A_52 : memref<10240xf32, #tpu.memory_space<vmem_shared>>)
      tpu.yield
    }) : () -> ()
    %mul3A_24 = arith.constant 10240 : i32
    %mul3A_25 = arith.muli %arg1, %mul3A_24 : i32
    %scan3A_26 = arith.constant 0 : i32
    %scan3A_27 = arith.constant 0 : i32
    %scan3A_28 = arith.constant 80 : i32
    %scan3A_29 = arith.addi %scan3A_27, %scan3A_28 : i32
    %scan3A_30 = arith.constant 1 : i32
    %scan3A_31 = scf.for %scan3A_51 = %scan3A_27 to %scan3A_29 step %scan3A_30 iter_args(%scan3A_52 = %scan3A_26) -> (i32)  : i32 {
      %get3A = arith.index_cast %scan3A_51 : i32 to index
      %get3A_53 = arith.constant 0 : index
      %get3A_54 = tpu.vector_load %arg5[%get3A, %get3A_53] {strides = array<i32>} : memref<80x128xi32, #tpu.memory_space<vmem>>, vector<1x16xi32>,
      %get3A_55 = vector.shape_cast %get3A_54 : vector<1x16xi32> to vector<16xi32>
      %add3A_56 = vector.broadcast %mul3A_25 : i32 to vector<16xi32>
      %add3A_57 = arith.addi %get3A_55, %add3A_56 : vector<16xi32>
      %swap3A = arith.index_cast %scan3A_51 : i32 to index
      %swap3A_58 = arith.constant 0 : index
      %swap3A_59 = tpu.vector_load %arg5[%swap3A, %swap3A_58] {strides = array<i32>} : memref<80x128xi32, #tpu.memory_space<vmem>>, vector<1x16xi32>,
      %swap3A_60 = vector.shape_cast %swap3A_59 : vector<1x16xi32> to vector<16xi32>
      %swap3A_61 = vector.shape_cast %add3A_57 : vector<16xi32> to vector<1x16xi32>
      tpu.vector_store %arg5[%swap3A, %swap3A_58], %swap3A_61 {strides = array<i32>} : memref<80x128xi32, #tpu.memory_space<vmem>>, vector<1x16xi32>,
      %get3A_62 = arith.index_cast %scan3A_51 : i32 to index
      %get3A_63 = arith.constant 16 : index
      %get3A_64 = tpu.vector_load %arg5[%get3A_62, %get3A_63] {strides = array<i32>} : memref<80x128xi32, #tpu.memory_space<vmem>>, vector<1x16xi32>,
      %get3A_65 = vector.shape_cast %get3A_64 : vector<1x16xi32> to vector<16xi32>
      %add3A_66 = vector.broadcast %mul3A_25 : i32 to vector<16xi32>
      %add3A_67 = arith.addi %get3A_65, %add3A_66 : vector<16xi32>
      %swap3A_68 = arith.index_cast %scan3A_51 : i32 to index
      %swap3A_69 = arith.constant 16 : index
      %swap3A_70 = tpu.vector_load %arg5[%swap3A_68, %swap3A_69] {strides = array<i32>} : memref<80x128xi32, #tpu.memory_space<vmem>>, vector<1x16xi32>,
      %swap3A_71 = vector.shape_cast %swap3A_70 : vector<1x16xi32> to vector<16xi32>
      %swap3A_72 = vector.shape_cast %add3A_67 : vector<16xi32> to vector<1x16xi32>
      tpu.vector_store %arg5[%swap3A_68, %swap3A_69], %swap3A_72 {strides = array<i32>} : memref<80x128xi32, #tpu.memory_space<vmem>>, vector<1x16xi32>,
      %get3A_73 = arith.index_cast %scan3A_51 : i32 to index
      %get3A_74 = arith.constant 32 : index
      %get3A_75 = tpu.vector_load %arg5[%get3A_73, %get3A_74] {strides = array<i32>} : memref<80x128xi32, #tpu.memory_space<vmem>>, vector<1x16xi32>,
      %get3A_76 = vector.shape_cast %get3A_75 : vector<1x16xi32> to vector<16xi32>
      %add3A_77 = vector.broadcast %mul3A_25 : i32 to vector<16xi32>
      %add3A_78 = arith.addi %get3A_76, %add3A_77 : vector<16xi32>
      %swap3A_79 = arith.index_cast %scan3A_51 : i32 to index
      %swap3A_80 = arith.constant 32 : index
      %swap3A_81 = tpu.vector_load %arg5[%swap3A_79, %swap3A_80] {strides = array<i32>} : memref<80x128xi32, #tpu.memory_space<vmem>>, vector<1x16xi32>,
      %swap3A_82 = vector.shape_cast %swap3A_81 : vector<1x16xi32> to vector<16xi32>
      %swap3A_83 = vector.shape_cast %add3A_78 : vector<16xi32> to vector<1x16xi32>
      tpu.vector_store %arg5[%swap3A_79, %swap3A_80], %swap3A_83 {strides = array<i32>} : memref<80x128xi32, #tpu.memory_space<vmem>>, vector<1x16xi32>,
      %get3A_84 = arith.index_cast %scan3A_51 : i32 to index
      %get3A_85 = arith.constant 48 : index
      %get3A_86 = tpu.vector_load %arg5[%get3A_84, %get3A_85] {strides = array<i32>} : memref<80x128xi32, #tpu.memory_space<vmem>>, vector<1x16xi32>,
      %get3A_87 = vector.shape_cast %get3A_86 : vector<1x16xi32> to vector<16xi32>
      %add3A_88 = vector.broadcast %mul3A_25 : i32 to vector<16xi32>
      %add3A_89 = arith.addi %get3A_87, %add3A_88 : vector<16xi32>
      %swap3A_90 = arith.index_cast %scan3A_51 : i32 to index
      %swap3A_91 = arith.constant 48 : index
      %swap3A_92 = tpu.vector_load %arg5[%swap3A_90, %swap3A_91] {strides = array<i32>} : memref<80x128xi32, #tpu.memory_space<vmem>>, vector<1x16xi32>,
      %swap3A_93 = vector.shape_cast %swap3A_92 : vector<1x16xi32> to vector<16xi32>
      %swap3A_94 = vector.shape_cast %add3A_89 : vector<16xi32> to vector<1x16xi32>
      tpu.vector_store %arg5[%swap3A_90, %swap3A_91], %swap3A_94 {strides = array<i32>} : memref<80x128xi32, #tpu.memory_space<vmem>>, vector<1x16xi32>,
      %get3A_95 = arith.index_cast %scan3A_51 : i32 to index
      %get3A_96 = arith.constant 64 : index
      %get3A_97 = tpu.vector_load %arg5[%get3A_95, %get3A_96] {strides = array<i32>} : memref<80x128xi32, #tpu.memory_space<vmem>>, vector<1x16xi32>,
      %get3A_98 = vector.shape_cast %get3A_97 : vector<1x16xi32> to vector<16xi32>
      %add3A_99 = vector.broadcast %mul3A_25 : i32 to vector<16xi32>
      %add3A_100 = arith.addi %get3A_98, %add3A_99 : vector<16xi32>
      %swap3A_101 = arith.index_cast %scan3A_51 : i32 to index
      %swap3A_102 = arith.constant 64 : index
      %swap3A_103 = tpu.vector_load %arg5[%swap3A_101, %swap3A_102] {strides = array<i32>} : memref<80x128xi32, #tpu.memory_space<vmem>>, vector<1x16xi32>,
      %swap3A_104 = vector.shape_cast %swap3A_103 : vector<1x16xi32> to vector<16xi32>
      %swap3A_105 = vector.shape_cast %add3A_100 : vector<16xi32> to vector<1x16xi32>
      tpu.vector_store %arg5[%swap3A_101, %swap3A_102], %swap3A_105 {strides = array<i32>} : memref<80x128xi32, #tpu.memory_space<vmem>>, vector<1x16xi32>,
      %get3A_106 = arith.index_cast %scan3A_51 : i32 to index
      %get3A_107 = arith.constant 80 : index
      %get3A_108 = tpu.vector_load %arg5[%get3A_106, %get3A_107] {strides = array<i32>} : memref<80x128xi32, #tpu.memory_space<vmem>>, vector<1x16xi32>,
      %get3A_109 = vector.shape_cast %get3A_108 : vector<1x16xi32> to vector<16xi32>
      %add3A_110 = vector.broadcast %mul3A_25 : i32 to vector<16xi32>
      %add3A_111 = arith.addi %get3A_109, %add3A_110 : vector<16xi32>
      %swap3A_112 = arith.index_cast %scan3A_51 : i32 to index
      %swap3A_113 = arith.constant 80 : index
      %swap3A_114 = tpu.vector_load %arg5[%swap3A_112, %swap3A_113] {strides = array<i32>} : memref<80x128xi32, #tpu.memory_space<vmem>>, vector<1x16xi32>,
      %swap3A_115 = vector.shape_cast %swap3A_114 : vector<1x16xi32> to vector<16xi32>
      %swap3A_116 = vector.shape_cast %add3A_111 : vector<16xi32> to vector<1x16xi32>
      tpu.vector_store %arg5[%swap3A_112, %swap3A_113], %swap3A_116 {strides = array<i32>} : memref<80x128xi32, #tpu.memory_space<vmem>>, vector<1x16xi32>,
      %get3A_117 = arith.index_cast %scan3A_51 : i32 to index
      %get3A_118 = arith.constant 96 : index
      %get3A_119 = tpu.vector_load %arg5[%get3A_117, %get3A_118] {strides = array<i32>} : memref<80x128xi32, #tpu.memory_space<vmem>>, vector<1x16xi32>,
      %get3A_120 = vector.shape_cast %get3A_119 : vector<1x16xi32> to vector<16xi32>
      %add3A_121 = vector.broadcast %mul3A_25 : i32 to vector<16xi32>
      %add3A_122 = arith.addi %get3A_120, %add3A_121 : vector<16xi32>
      %swap3A_123 = arith.index_cast %scan3A_51 : i32 to index
      %swap3A_124 = arith.constant 96 : index
      %swap3A_125 = tpu.vector_load %arg5[%swap3A_123, %swap3A_124] {strides = array<i32>} : memref<80x128xi32, #tpu.memory_space<vmem>>, vector<1x16xi32>,
      %swap3A_126 = vector.shape_cast %swap3A_125 : vector<1x16xi32> to vector<16xi32>
      %swap3A_127 = vector.shape_cast %add3A_122 : vector<16xi32> to vector<1x16xi32>
      tpu.vector_store %arg5[%swap3A_123, %swap3A_124], %swap3A_127 {strides = array<i32>} : memref<80x128xi32, #tpu.memory_space<vmem>>, vector<1x16xi32>,
      %get3A_128 = arith.index_cast %scan3A_51 : i32 to index
      %get3A_129 = arith.constant 112 : index
      %get3A_130 = tpu.vector_load %arg5[%get3A_128, %get3A_129] {strides = array<i32>} : memref<80x128xi32, #tpu.memory_space<vmem>>, vector<1x16xi32>,
      %get3A_131 = vector.shape_cast %get3A_130 : vector<1x16xi32> to vector<16xi32>
      %add3A_132 = vector.broadcast %mul3A_25 : i32 to vector<16xi32>
      %add3A_133 = arith.addi %get3A_131, %add3A_132 : vector<16xi32>
      %swap3A_134 = arith.index_cast %scan3A_51 : i32 to index
      %swap3A_135 = arith.constant 112 : index
      %swap3A_136 = tpu.vector_load %arg5[%swap3A_134, %swap3A_135] {strides = array<i32>} : memref<80x128xi32, #tpu.memory_space<vmem>>, vector<1x16xi32>,
      %swap3A_137 = vector.shape_cast %swap3A_136 : vector<1x16xi32> to vector<16xi32>
      %swap3A_138 = vector.shape_cast %add3A_133 : vector<16xi32> to vector<1x16xi32>
      tpu.vector_store %arg5[%swap3A_134, %swap3A_135], %swap3A_138 {strides = array<i32>} : memref<80x128xi32, #tpu.memory_space<vmem>>, vector<1x16xi32>,
      %scan3A_139 = arith.constant 0 : i32
      scf.yield %scan3A_139 : i32
    }
    %scan3A_32 = arith.constant 80 : i32
    %scan3A_33 = arith.constant 0 : i32
    %scan3A_34 = arith.constant 0 : i32
    %scan3A_35 = arith.constant 80 : i32
    %scan3A_36 = arith.addi %scan3A_34, %scan3A_35 : i32
    %scan3A_37 = arith.constant 1 : i32
    %scan3A_38 = scf.for %scan3A_51 = %scan3A_34 to %scan3A_36 step %scan3A_37 iter_args(%scan3A_52 = %scan3A_33) -> (i32)  : i32 {
      %dma_start3A = arith.constant 0 : i32
      %dma_start3A_53 = tpu.memref_slice %arg5[%scan3A_51, %dma_start3A] : memref<80x128xi32, #tpu.memory_space<vmem>> -> memref<1x128xi32, #tpu.memory_space<vmem>>
      %dma_start3A_54 = tpu.memref_squeeze %dma_start3A_53 : memref<1x128xi32, #tpu.memory_space<vmem>> -> memref<128xi32, #tpu.memory_space<vmem>>
      %dma_start3A_55 = arith.constant 0 : i32
      %dma_start3A_56 = tpu.memref_slice %arg8[%dma_start3A_55] : memref<163840xf32, #tpu.memory_space<vmem_shared>> -> memref<163840xf32, #tpu.memory_space<vmem_shared>>
      tpu.enqueue_indirect_dma source(%arg7 : memref<128xf32, #tpu.memory_space<vmem>>) target(%dma_start3A_56 : memref<163840xf32, #tpu.memory_space<vmem_shared>>) offsets(%dma_start3A_54 : memref<128xi32, #tpu.memory_space<vmem>>) semaphore(%arg9 : memref<!tpu.dma_semaphore, #tpu.memory_space<semaphore_mem>>) {add = true}
      %scan3A_57 = arith.constant 0 : i32
      scf.yield %scan3A_57 : i32
    }
    %scan3A_39 = arith.constant 80 : i32
    %scan3A_40 = arith.constant 0 : i32
    %scan3A_41 = arith.constant 0 : i32
    %scan3A_42 = arith.constant 80 : i32
    %scan3A_43 = arith.addi %scan3A_41, %scan3A_42 : i32
    %scan3A_44 = arith.constant 1 : i32
    %scan3A_45 = scf.for %scan3A_51 = %scan3A_41 to %scan3A_43 step %scan3A_44 iter_args(%scan3A_52 = %scan3A_40) -> (i32)  : i32 {
      %dma_wait3A = arith.constant 0 : i32
      %dma_wait3A_53 = tpu.memref_slice %arg8[%dma_wait3A] : memref<163840xf32, #tpu.memory_space<vmem_shared>> -> memref<128xf32, #tpu.memory_space<vmem_shared>>
      %dma_wait3A_54 = arith.constant 0 : i32
      %dma_wait3A_55 = tpu.memref_slice %arg8[%dma_wait3A_54] : memref<163840xf32, #tpu.memory_space<vmem_shared>> -> memref<128xf32, #tpu.memory_space<vmem_shared>>
      tpu.wait_dma2 semaphore(%arg9 : memref<!tpu.dma_semaphore, #tpu.memory_space<semaphore_mem>>) src(%arg7 : memref<128xf32, #tpu.memory_space<vmem>>) dst(%dma_wait3A_55 : memref<128xf32, #tpu.memory_space<vmem_shared>>)
      %scan3A_56 = arith.constant 0 : i32
      scf.yield %scan3A_56 : i32
    }
    %scan3A_46 = arith.constant 80 : i32
    %mul3A_47 = arith.constant 10240 : i32
    %mul3A_48 = arith.muli %arg1, %mul3A_47 : i32
    %mul3A_49 = arith.constant 16 : i32
    %mul3A_50 = arith.muli %arg0, %mul3A_49 : i32
    %add3A = arith.addi %mul3A_50, %arg1 : i32
    "tpu.region"() ({
      %run_scoped3A = tpu.sem_alloc : memref<!tpu.dma_semaphore, #tpu.memory_space<semaphore_mem>>
      %dma_start3A = arith.constant 0 : i32
      %dma_start3A_51 = tpu.memref_slice %arg4[%add3A, %dma_start3A] : memref<32x10240xf32, #tpu.memory_space<hbm>> -> memref<1x10240xf32, #tpu.memory_space<hbm>>
      %dma_start3A_52 = tpu.memref_squeeze %dma_start3A_51 : memref<1x10240xf32, #tpu.memory_space<hbm>> -> memref<10240xf32, #tpu.memory_space<hbm>>
      %dma_start3A_53 = tpu.memref_slice %arg8[%mul3A_48] : memref<163840xf32, #tpu.memory_space<vmem_shared>> -> memref<10240xf32, #tpu.memory_space<vmem_shared>>
      tpu.enqueue_dma source(%dma_start3A_53 : memref<10240xf32, #tpu.memory_space<vmem_shared>>) target(%dma_start3A_52 : memref<10240xf32, #tpu.memory_space<hbm>>) target_semaphore(%run_scoped3A : memref<!tpu.dma_semaphore, #tpu.memory_space<semaphore_mem>>)
      %dma_wait3A = arith.constant 0 : i32
      %dma_wait3A_54 = tpu.memref_slice %arg4[%add3A, %dma_wait3A] : memref<32x10240xf32, #tpu.memory_space<hbm>> -> memref<1x10240xf32, #tpu.memory_space<hbm>>
      %dma_wait3A_55 = tpu.memref_squeeze %dma_wait3A_54 : memref<1x10240xf32, #tpu.memory_space<hbm>> -> memref<10240xf32, #tpu.memory_space<hbm>>
      %dma_wait3A_56 = tpu.memref_slice %arg8[%mul3A_48] : memref<163840xf32, #tpu.memory_space<vmem_shared>> -> memref<10240xf32, #tpu.memory_space<vmem_shared>>
      tpu.wait_dma2 semaphore(%run_scoped3A : memref<!tpu.dma_semaphore, #tpu.memory_space<semaphore_mem>>) src(%dma_wait3A_56 : memref<10240xf32, #tpu.memory_space<vmem_shared>>) dst(%dma_wait3A_55 : memref<10240xf32, #tpu.memory_space<hbm>>)
      tpu.yield
    }) : () -> ()
    return
  }
}

#map = affine_map<(d0, d1) -> (0, 0)>
#map1 = affine_map<(d0, d1) -> (0)>
module attributes {stable_mosaic.version = 14 : i64} {
  func.func @_edge_kernel(%arg0: i32, %arg1: i32, %arg2: memref<20480x128xf32, #tpu.memory_space<hbm>>, %arg3: memref<163840xi32, #tpu.memory_space<hbm>>, %arg4: memref<163840xi32, #tpu.memory_space<hbm>>, %arg5: memref<20480x128xf32, #tpu.memory_space<hbm>>, %arg6: memref<10240xi32, #tpu.memory_space<vmem>>, %arg7: memref<128xi32, #tpu.memory_space<vmem>>, %arg8: memref<128xi32, #tpu.memory_space<vmem>>, %arg9: memref<128x128xf32, #tpu.memory_space<vmem>>, %arg10: memref<128x128xf32, #tpu.memory_space<vmem>>, %arg11: memref<10240x128xf32, #tpu.memory_space<vmem_shared>>, %arg12: memref<!tpu.dma_semaphore, #tpu.memory_space<semaphore_mem>>, %arg13: memref<!tpu.dma_semaphore, #tpu.memory_space<semaphore_mem>>, %arg14: memref<!tpu.dma_semaphore, #tpu.memory_space<semaphore_mem>>, %arg15: memref<!tpu.dma_semaphore, #tpu.memory_space<semaphore_mem>>) attributes {dimension_semantics = [#tpu.dimension_semantics<core_parallel>, #tpu.dimension_semantics<subcore_parallel>], iteration_bounds = array<i64: 2, 16>, scalar_prefetch = 0 : i64, scratch_operands = 10 : i64, tpu.core_type = #tpu.core_type<sc_vector_subcore>, window_params = [{transform_indices = #map}, {transform_indices = #map1}, {transform_indices = #map1}, {transform_indices = #map}]} {
    %mul3A = arith.constant 10240 : i32
    %mul3A_0 = arith.muli %arg0, %mul3A : i32
    %mul3A_1 = arith.constant 10240 : i32
    %mul3A_2 = arith.muli %arg1, %mul3A_1 : i32
    "tpu.region"() ({
      %run_scoped3A = tpu.sem_alloc : memref<!tpu.dma_semaphore, #tpu.memory_space<semaphore_mem>>
      %dma_start3A_87 = tpu.memref_slice %arg3[%mul3A_2] : memref<163840xi32, #tpu.memory_space<hbm>> -> memref<10240xi32, #tpu.memory_space<hbm>>
      %dma_start3A_88 = tpu.memref_slice %arg3[%mul3A_2] : memref<163840xi32, #tpu.memory_space<hbm>> -> memref<10240xi32, #tpu.memory_space<hbm>>
      tpu.enqueue_dma source(%dma_start3A_88 : memref<10240xi32, #tpu.memory_space<hbm>>) target(%arg6 : memref<10240xi32, #tpu.memory_space<vmem>>) target_semaphore(%run_scoped3A : memref<!tpu.dma_semaphore, #tpu.memory_space<semaphore_mem>>)
      %dma_wait3A_89 = tpu.memref_slice %arg3[%mul3A_2] : memref<163840xi32, #tpu.memory_space<hbm>> -> memref<10240xi32, #tpu.memory_space<hbm>>
      %dma_wait3A_90 = tpu.memref_slice %arg3[%mul3A_2] : memref<163840xi32, #tpu.memory_space<hbm>> -> memref<10240xi32, #tpu.memory_space<hbm>>
      tpu.wait_dma2 semaphore(%run_scoped3A : memref<!tpu.dma_semaphore, #tpu.memory_space<semaphore_mem>>) src(%dma_wait3A_90 : memref<10240xi32, #tpu.memory_space<hbm>>) dst(%arg6 : memref<10240xi32, #tpu.memory_space<vmem>>)
      tpu.yield
    }) : () -> ()
    %scan3A = arith.constant 0 : i32
    %scan3A_3 = arith.constant 0 : i32
    %scan3A_4 = arith.constant 640 : i32
    %scan3A_5 = arith.addi %scan3A_3, %scan3A_4 : i32
    %scan3A_6 = arith.constant 1 : i32
    %scan3A_7 = scf.for %scan3A_87 = %scan3A_3 to %scan3A_5 step %scan3A_6 iter_args(%scan3A_88 = %scan3A) -> (i32)  : i32 {
      %mul3A_89 = arith.constant 16 : i32
      %mul3A_90 = arith.muli %scan3A_87, %mul3A_89 : i32
      %get3A = arith.index_cast %mul3A_90 : i32 to index
      %get3A_91 = tpu.vector_load %arg6[%get3A] {strides = array<i32>} : memref<10240xi32, #tpu.memory_space<vmem>>, vector<16xi32>,
      %get3A_92 = vector.shape_cast %get3A_91 : vector<16xi32> to vector<16xi32>
      %add3A_93 = vector.broadcast %mul3A_0 : i32 to vector<16xi32>
      %add3A_94 = arith.addi %get3A_92, %add3A_93 : vector<16xi32>
      %mul3A_95 = arith.constant 16 : i32
      %mul3A_96 = arith.muli %scan3A_87, %mul3A_95 : i32
      %swap3A = arith.index_cast %mul3A_96 : i32 to index
      %swap3A_97 = tpu.vector_load %arg6[%swap3A] {strides = array<i32>} : memref<10240xi32, #tpu.memory_space<vmem>>, vector<16xi32>,
      %swap3A_98 = vector.shape_cast %swap3A_97 : vector<16xi32> to vector<16xi32>
      %swap3A_99 = vector.shape_cast %add3A_94 : vector<16xi32> to vector<16xi32>
      tpu.vector_store %arg6[%swap3A], %swap3A_99 {strides = array<i32>} : memref<10240xi32, #tpu.memory_space<vmem>>, vector<16xi32>,
      %scan3A_100 = arith.constant 0 : i32
      scf.yield %scan3A_100 : i32
    }
    %scan3A_8 = arith.constant 640 : i32
    %broadcast_in_dim3A = arith.constant 0.000000e+00 : f32
    %broadcast_in_dim3A_9 = vector.broadcast %broadcast_in_dim3A : f32 to vector<16xf32>
    %scan3A_10 = arith.constant 0 : i32
    %scan3A_11 = arith.constant 0 : i32
    %scan3A_12 = arith.constant 128 : i32
    %scan3A_13 = arith.addi %scan3A_11, %scan3A_12 : i32
    %scan3A_14 = arith.constant 1 : i32
    %scan3A_15 = scf.for %scan3A_87 = %scan3A_11 to %scan3A_13 step %scan3A_14 iter_args(%scan3A_88 = %scan3A_10) -> (i32)  : i32 {
      %swap3A = arith.index_cast %scan3A_87 : i32 to index
      %swap3A_89 = arith.constant 0 : index
      %swap3A_90 = tpu.vector_load %arg9[%swap3A, %swap3A_89] {strides = array<i32>} : memref<128x128xf32, #tpu.memory_space<vmem>>, vector<1x16xf32>,
      %swap3A_91 = vector.shape_cast %swap3A_90 : vector<1x16xf32> to vector<16xf32>
      %swap3A_92 = vector.shape_cast %broadcast_in_dim3A_9 : vector<16xf32> to vector<1x16xf32>
      tpu.vector_store %arg9[%swap3A, %swap3A_89], %swap3A_92 {strides = array<i32>} : memref<128x128xf32, #tpu.memory_space<vmem>>, vector<1x16xf32>,
      %swap3A_93 = arith.index_cast %scan3A_87 : i32 to index
      %swap3A_94 = arith.constant 16 : index
      %swap3A_95 = tpu.vector_load %arg9[%swap3A_93, %swap3A_94] {strides = array<i32>} : memref<128x128xf32, #tpu.memory_space<vmem>>, vector<1x16xf32>,
      %swap3A_96 = vector.shape_cast %swap3A_95 : vector<1x16xf32> to vector<16xf32>
      %swap3A_97 = vector.shape_cast %broadcast_in_dim3A_9 : vector<16xf32> to vector<1x16xf32>
      tpu.vector_store %arg9[%swap3A_93, %swap3A_94], %swap3A_97 {strides = array<i32>} : memref<128x128xf32, #tpu.memory_space<vmem>>, vector<1x16xf32>,
      %swap3A_98 = arith.index_cast %scan3A_87 : i32 to index
      %swap3A_99 = arith.constant 32 : index
      %swap3A_100 = tpu.vector_load %arg9[%swap3A_98, %swap3A_99] {strides = array<i32>} : memref<128x128xf32, #tpu.memory_space<vmem>>, vector<1x16xf32>,
      %swap3A_101 = vector.shape_cast %swap3A_100 : vector<1x16xf32> to vector<16xf32>
      %swap3A_102 = vector.shape_cast %broadcast_in_dim3A_9 : vector<16xf32> to vector<1x16xf32>
      tpu.vector_store %arg9[%swap3A_98, %swap3A_99], %swap3A_102 {strides = array<i32>} : memref<128x128xf32, #tpu.memory_space<vmem>>, vector<1x16xf32>,
      %swap3A_103 = arith.index_cast %scan3A_87 : i32 to index
      %swap3A_104 = arith.constant 48 : index
      %swap3A_105 = tpu.vector_load %arg9[%swap3A_103, %swap3A_104] {strides = array<i32>} : memref<128x128xf32, #tpu.memory_space<vmem>>, vector<1x16xf32>,
      %swap3A_106 = vector.shape_cast %swap3A_105 : vector<1x16xf32> to vector<16xf32>
      %swap3A_107 = vector.shape_cast %broadcast_in_dim3A_9 : vector<16xf32> to vector<1x16xf32>
      tpu.vector_store %arg9[%swap3A_103, %swap3A_104], %swap3A_107 {strides = array<i32>} : memref<128x128xf32, #tpu.memory_space<vmem>>, vector<1x16xf32>,
      %swap3A_108 = arith.index_cast %scan3A_87 : i32 to index
      %swap3A_109 = arith.constant 64 : index
      %swap3A_110 = tpu.vector_load %arg9[%swap3A_108, %swap3A_109] {strides = array<i32>} : memref<128x128xf32, #tpu.memory_space<vmem>>, vector<1x16xf32>,
      %swap3A_111 = vector.shape_cast %swap3A_110 : vector<1x16xf32> to vector<16xf32>
      %swap3A_112 = vector.shape_cast %broadcast_in_dim3A_9 : vector<16xf32> to vector<1x16xf32>
      tpu.vector_store %arg9[%swap3A_108, %swap3A_109], %swap3A_112 {strides = array<i32>} : memref<128x128xf32, #tpu.memory_space<vmem>>, vector<1x16xf32>,
      %swap3A_113 = arith.index_cast %scan3A_87 : i32 to index
      %swap3A_114 = arith.constant 80 : index
      %swap3A_115 = tpu.vector_load %arg9[%swap3A_113, %swap3A_114] {strides = array<i32>} : memref<128x128xf32, #tpu.memory_space<vmem>>, vector<1x16xf32>,
      %swap3A_116 = vector.shape_cast %swap3A_115 : vector<1x16xf32> to vector<16xf32>
      %swap3A_117 = vector.shape_cast %broadcast_in_dim3A_9 : vector<16xf32> to vector<1x16xf32>
      tpu.vector_store %arg9[%swap3A_113, %swap3A_114], %swap3A_117 {strides = array<i32>} : memref<128x128xf32, #tpu.memory_space<vmem>>, vector<1x16xf32>,
      %swap3A_118 = arith.index_cast %scan3A_87 : i32 to index
      %swap3A_119 = arith.constant 96 : index
      %swap3A_120 = tpu.vector_load %arg9[%swap3A_118, %swap3A_119] {strides = array<i32>} : memref<128x128xf32, #tpu.memory_space<vmem>>, vector<1x16xf32>,
      %swap3A_121 = vector.shape_cast %swap3A_120 : vector<1x16xf32> to vector<16xf32>
      %swap3A_122 = vector.shape_cast %broadcast_in_dim3A_9 : vector<16xf32> to vector<1x16xf32>
      tpu.vector_store %arg9[%swap3A_118, %swap3A_119], %swap3A_122 {strides = array<i32>} : memref<128x128xf32, #tpu.memory_space<vmem>>, vector<1x16xf32>,
      %swap3A_123 = arith.index_cast %scan3A_87 : i32 to index
      %swap3A_124 = arith.constant 112 : index
      %swap3A_125 = tpu.vector_load %arg9[%swap3A_123, %swap3A_124] {strides = array<i32>} : memref<128x128xf32, #tpu.memory_space<vmem>>, vector<1x16xf32>,
      %swap3A_126 = vector.shape_cast %swap3A_125 : vector<1x16xf32> to vector<16xf32>
      %swap3A_127 = vector.shape_cast %broadcast_in_dim3A_9 : vector<16xf32> to vector<1x16xf32>
      tpu.vector_store %arg9[%swap3A_123, %swap3A_124], %swap3A_127 {strides = array<i32>} : memref<128x128xf32, #tpu.memory_space<vmem>>, vector<1x16xf32>,
      %scan3A_128 = arith.constant 0 : i32
      scf.yield %scan3A_128 : i32
    }
    %scan3A_16 = arith.constant 128 : i32
    %mul3A_17 = arith.constant 640 : i32
    %mul3A_18 = arith.muli %arg1, %mul3A_17 : i32
    %add3A = arith.constant 0 : i32
    %add3A_19 = arith.addi %mul3A_18, %add3A : i32
    "tpu.region"() ({
      %run_scoped3A = tpu.sem_alloc : memref<!tpu.dma_semaphore, #tpu.memory_space<semaphore_mem>>
      %dma_start3A_87 = arith.constant 0 : i32
      %dma_start3A_88 = tpu.memref_slice %arg11[%add3A_19, %dma_start3A_87] : memref<10240x128xf32, #tpu.memory_space<vmem_shared>> -> memref<128x128xf32, #tpu.memory_space<vmem_shared>>
      %dma_start3A_89 = arith.constant 0 : i32
      %dma_start3A_90 = tpu.memref_slice %arg11[%add3A_19, %dma_start3A_89] : memref<10240x128xf32, #tpu.memory_space<vmem_shared>> -> memref<128x128xf32, #tpu.memory_space<vmem_shared>>
      tpu.enqueue_dma source(%arg9 : memref<128x128xf32, #tpu.memory_space<vmem>>) target(%dma_start3A_90 : memref<128x128xf32, #tpu.memory_space<vmem_shared>>) target_semaphore(%run_scoped3A : memref<!tpu.dma_semaphore, #tpu.memory_space<semaphore_mem>>)
      %dma_wait3A_91 = arith.constant 0 : i32
      %dma_wait3A_92 = tpu.memref_slice %arg11[%add3A_19, %dma_wait3A_91] : memref<10240x128xf32, #tpu.memory_space<vmem_shared>> -> memref<128x128xf32, #tpu.memory_space<vmem_shared>>
      %dma_wait3A_93 = arith.constant 0 : i32
      %dma_wait3A_94 = tpu.memref_slice %arg11[%add3A_19, %dma_wait3A_93] : memref<10240x128xf32, #tpu.memory_space<vmem_shared>> -> memref<128x128xf32, #tpu.memory_space<vmem_shared>>
      tpu.wait_dma2 semaphore(%run_scoped3A : memref<!tpu.dma_semaphore, #tpu.memory_space<semaphore_mem>>) src(%arg9 : memref<128x128xf32, #tpu.memory_space<vmem>>) dst(%dma_wait3A_94 : memref<128x128xf32, #tpu.memory_space<vmem_shared>>)
      tpu.yield
    }) : () -> ()
    %mul3A_20 = arith.constant 640 : i32
    %mul3A_21 = arith.muli %arg1, %mul3A_20 : i32
    %add3A_22 = arith.constant 128 : i32
    %add3A_23 = arith.addi %mul3A_21, %add3A_22 : i32
    "tpu.region"() ({
      %run_scoped3A = tpu.sem_alloc : memref<!tpu.dma_semaphore, #tpu.memory_space<semaphore_mem>>
      %dma_start3A_87 = arith.constant 0 : i32
      %dma_start3A_88 = tpu.memref_slice %arg11[%add3A_23, %dma_start3A_87] : memref<10240x128xf32, #tpu.memory_space<vmem_shared>> -> memref<128x128xf32, #tpu.memory_space<vmem_shared>>
      %dma_start3A_89 = arith.constant 0 : i32
      %dma_start3A_90 = tpu.memref_slice %arg11[%add3A_23, %dma_start3A_89] : memref<10240x128xf32, #tpu.memory_space<vmem_shared>> -> memref<128x128xf32, #tpu.memory_space<vmem_shared>>
      tpu.enqueue_dma source(%arg9 : memref<128x128xf32, #tpu.memory_space<vmem>>) target(%dma_start3A_90 : memref<128x128xf32, #tpu.memory_space<vmem_shared>>) target_semaphore(%run_scoped3A : memref<!tpu.dma_semaphore, #tpu.memory_space<semaphore_mem>>)
      %dma_wait3A_91 = arith.constant 0 : i32
      %dma_wait3A_92 = tpu.memref_slice %arg11[%add3A_23, %dma_wait3A_91] : memref<10240x128xf32, #tpu.memory_space<vmem_shared>> -> memref<128x128xf32, #tpu.memory_space<vmem_shared>>
      %dma_wait3A_93 = arith.constant 0 : i32
      %dma_wait3A_94 = tpu.memref_slice %arg11[%add3A_23, %dma_wait3A_93] : memref<10240x128xf32, #tpu.memory_space<vmem_shared>> -> memref<128x128xf32, #tpu.memory_space<vmem_shared>>
      tpu.wait_dma2 semaphore(%run_scoped3A : memref<!tpu.dma_semaphore, #tpu.memory_space<semaphore_mem>>) src(%arg9 : memref<128x128xf32, #tpu.memory_space<vmem>>) dst(%dma_wait3A_94 : memref<128x128xf32, #tpu.memory_space<vmem_shared>>)
      tpu.yield
    }) : () -> ()
    %mul3A_24 = arith.constant 640 : i32
    %mul3A_25 = arith.muli %arg1, %mul3A_24 : i32
    %add3A_26 = arith.constant 256 : i32
    %add3A_27 = arith.addi %mul3A_25, %add3A_26 : i32
    "tpu.region"() ({
      %run_scoped3A = tpu.sem_alloc : memref<!tpu.dma_semaphore, #tpu.memory_space<semaphore_mem>>
      %dma_start3A_87 = arith.constant 0 : i32
      %dma_start3A_88 = tpu.memref_slice %arg11[%add3A_27, %dma_start3A_87] : memref<10240x128xf32, #tpu.memory_space<vmem_shared>> -> memref<128x128xf32, #tpu.memory_space<vmem_shared>>
      %dma_start3A_89 = arith.constant 0 : i32
      %dma_start3A_90 = tpu.memref_slice %arg11[%add3A_27, %dma_start3A_89] : memref<10240x128xf32, #tpu.memory_space<vmem_shared>> -> memref<128x128xf32, #tpu.memory_space<vmem_shared>>
      tpu.enqueue_dma source(%arg9 : memref<128x128xf32, #tpu.memory_space<vmem>>) target(%dma_start3A_90 : memref<128x128xf32, #tpu.memory_space<vmem_shared>>) target_semaphore(%run_scoped3A : memref<!tpu.dma_semaphore, #tpu.memory_space<semaphore_mem>>)
      %dma_wait3A_91 = arith.constant 0 : i32
      %dma_wait3A_92 = tpu.memref_slice %arg11[%add3A_27, %dma_wait3A_91] : memref<10240x128xf32, #tpu.memory_space<vmem_shared>> -> memref<128x128xf32, #tpu.memory_space<vmem_shared>>
      %dma_wait3A_93 = arith.constant 0 : i32
      %dma_wait3A_94 = tpu.memref_slice %arg11[%add3A_27, %dma_wait3A_93] : memref<10240x128xf32, #tpu.memory_space<vmem_shared>> -> memref<128x128xf32, #tpu.memory_space<vmem_shared>>
      tpu.wait_dma2 semaphore(%run_scoped3A : memref<!tpu.dma_semaphore, #tpu.memory_space<semaphore_mem>>) src(%arg9 : memref<128x128xf32, #tpu.memory_space<vmem>>) dst(%dma_wait3A_94 : memref<128x128xf32, #tpu.memory_space<vmem_shared>>)
      tpu.yield
    }) : () -> ()
    %mul3A_28 = arith.constant 640 : i32
    %mul3A_29 = arith.muli %arg1, %mul3A_28 : i32
    %add3A_30 = arith.constant 384 : i32
    %add3A_31 = arith.addi %mul3A_29, %add3A_30 : i32
    "tpu.region"() ({
      %run_scoped3A = tpu.sem_alloc : memref<!tpu.dma_semaphore, #tpu.memory_space<semaphore_mem>>
      %dma_start3A_87 = arith.constant 0 : i32
      %dma_start3A_88 = tpu.memref_slice %arg11[%add3A_31, %dma_start3A_87] : memref<10240x128xf32, #tpu.memory_space<vmem_shared>> -> memref<128x128xf32, #tpu.memory_space<vmem_shared>>
      %dma_start3A_89 = arith.constant 0 : i32
      %dma_start3A_90 = tpu.memref_slice %arg11[%add3A_31, %dma_start3A_89] : memref<10240x128xf32, #tpu.memory_space<vmem_shared>> -> memref<128x128xf32, #tpu.memory_space<vmem_shared>>
      tpu.enqueue_dma source(%arg9 : memref<128x128xf32, #tpu.memory_space<vmem>>) target(%dma_start3A_90 : memref<128x128xf32, #tpu.memory_space<vmem_shared>>) target_semaphore(%run_scoped3A : memref<!tpu.dma_semaphore, #tpu.memory_space<semaphore_mem>>)
      %dma_wait3A_91 = arith.constant 0 : i32
      %dma_wait3A_92 = tpu.memref_slice %arg11[%add3A_31, %dma_wait3A_91] : memref<10240x128xf32, #tpu.memory_space<vmem_shared>> -> memref<128x128xf32, #tpu.memory_space<vmem_shared>>
      %dma_wait3A_93 = arith.constant 0 : i32
      %dma_wait3A_94 = tpu.memref_slice %arg11[%add3A_31, %dma_wait3A_93] : memref<10240x128xf32, #tpu.memory_space<vmem_shared>> -> memref<128x128xf32, #tpu.memory_space<vmem_shared>>
      tpu.wait_dma2 semaphore(%run_scoped3A : memref<!tpu.dma_semaphore, #tpu.memory_space<semaphore_mem>>) src(%arg9 : memref<128x128xf32, #tpu.memory_space<vmem>>) dst(%dma_wait3A_94 : memref<128x128xf32, #tpu.memory_space<vmem_shared>>)
      tpu.yield
    }) : () -> ()
    %mul3A_32 = arith.constant 640 : i32
    %mul3A_33 = arith.muli %arg1, %mul3A_32 : i32
    %add3A_34 = arith.constant 512 : i32
    %add3A_35 = arith.addi %mul3A_33, %add3A_34 : i32
    "tpu.region"() ({
      %run_scoped3A = tpu.sem_alloc : memref<!tpu.dma_semaphore, #tpu.memory_space<semaphore_mem>>
      %dma_start3A_87 = arith.constant 0 : i32
      %dma_start3A_88 = tpu.memref_slice %arg11[%add3A_35, %dma_start3A_87] : memref<10240x128xf32, #tpu.memory_space<vmem_shared>> -> memref<128x128xf32, #tpu.memory_space<vmem_shared>>
      %dma_start3A_89 = arith.constant 0 : i32
      %dma_start3A_90 = tpu.memref_slice %arg11[%add3A_35, %dma_start3A_89] : memref<10240x128xf32, #tpu.memory_space<vmem_shared>> -> memref<128x128xf32, #tpu.memory_space<vmem_shared>>
      tpu.enqueue_dma source(%arg9 : memref<128x128xf32, #tpu.memory_space<vmem>>) target(%dma_start3A_90 : memref<128x128xf32, #tpu.memory_space<vmem_shared>>) target_semaphore(%run_scoped3A : memref<!tpu.dma_semaphore, #tpu.memory_space<semaphore_mem>>)
      %dma_wait3A_91 = arith.constant 0 : i32
      %dma_wait3A_92 = tpu.memref_slice %arg11[%add3A_35, %dma_wait3A_91] : memref<10240x128xf32, #tpu.memory_space<vmem_shared>> -> memref<128x128xf32, #tpu.memory_space<vmem_shared>>
      %dma_wait3A_93 = arith.constant 0 : i32
      %dma_wait3A_94 = tpu.memref_slice %arg11[%add3A_35, %dma_wait3A_93] : memref<10240x128xf32, #tpu.memory_space<vmem_shared>> -> memref<128x128xf32, #tpu.memory_space<vmem_shared>>
      tpu.wait_dma2 semaphore(%run_scoped3A : memref<!tpu.dma_semaphore, #tpu.memory_space<semaphore_mem>>) src(%arg9 : memref<128x128xf32, #tpu.memory_space<vmem>>) dst(%dma_wait3A_94 : memref<128x128xf32, #tpu.memory_space<vmem_shared>>)
      tpu.yield
    }) : () -> ()
    %barrier3A = arith.constant 0 : index
    tpu.barrier barrier_id(%barrier3A)
    %add3A_36 = arith.constant 0 : i32
    %add3A_37 = arith.addi %mul3A_2, %add3A_36 : i32
    %dma_start3A = tpu.memref_slice %arg4[%add3A_37] : memref<163840xi32, #tpu.memory_space<hbm>> -> memref<128xi32, #tpu.memory_space<hbm>>
    %dma_start3A_38 = tpu.memref_slice %arg4[%add3A_37] : memref<163840xi32, #tpu.memory_space<hbm>> -> memref<128xi32, #tpu.memory_space<hbm>>
    tpu.enqueue_dma source(%dma_start3A_38 : memref<128xi32, #tpu.memory_space<hbm>>) target(%arg7 : memref<128xi32, #tpu.memory_space<vmem>>) target_semaphore(%arg12 : memref<!tpu.dma_semaphore, #tpu.memory_space<semaphore_mem>>)
    %add3A_39 = arith.constant 128 : i32
    %add3A_40 = arith.addi %mul3A_2, %add3A_39 : i32
    %dma_start3A_41 = tpu.memref_slice %arg4[%add3A_40] : memref<163840xi32, #tpu.memory_space<hbm>> -> memref<128xi32, #tpu.memory_space<hbm>>
    %dma_start3A_42 = tpu.memref_slice %arg4[%add3A_40] : memref<163840xi32, #tpu.memory_space<hbm>> -> memref<128xi32, #tpu.memory_space<hbm>>
    tpu.enqueue_dma source(%dma_start3A_42 : memref<128xi32, #tpu.memory_space<hbm>>) target(%arg8 : memref<128xi32, #tpu.memory_space<vmem>>) target_semaphore(%arg13 : memref<!tpu.dma_semaphore, #tpu.memory_space<semaphore_mem>>)
    %dma_start3A_43 = arith.constant 0 : i32
    %dma_start3A_44 = tpu.memref_slice %arg6[%dma_start3A_43] : memref<10240xi32, #tpu.memory_space<vmem>> -> memref<128xi32, #tpu.memory_space<vmem>>
    %dma_start3A_45 = arith.constant 0 : i32
    %dma_start3A_46 = arith.constant 0 : i32
    %dma_start3A_47 = tpu.memref_slice %arg2[%dma_start3A_45, %dma_start3A_46] : memref<20480x128xf32, #tpu.memory_space<hbm>> -> memref<20480x128xf32, #tpu.memory_space<hbm>>
    tpu.enqueue_indirect_dma source(%dma_start3A_47 : memref<20480x128xf32, #tpu.memory_space<hbm>>) target(%arg9 : memref<128x128xf32, #tpu.memory_space<vmem>>) offsets(%dma_start3A_44 : memref<128xi32, #tpu.memory_space<vmem>>) semaphore(%arg14 : memref<!tpu.dma_semaphore, #tpu.memory_space<semaphore_mem>>)
    %scan3A_48 = arith.constant 0 : i32
    %scan3A_49 = arith.constant 0 : i32
    %scan3A_50 = arith.constant 39 : i32
    %scan3A_51 = arith.addi %scan3A_49, %scan3A_50 : i32
    %scan3A_52 = arith.constant 1 : i32
    %scan3A_53 = scf.for %scan3A_87 = %scan3A_49 to %scan3A_51 step %scan3A_52 iter_args(%scan3A_88 = %scan3A_48) -> (i32)  : i32 {
      %mul3A_89 = arith.constant 2 : i32
      %mul3A_90 = arith.muli %mul3A_89, %scan3A_87 : i32
      %dma_wait3A_91 = arith.constant 0 : i32
      %dma_wait3A_92 = arith.constant 0 : i32
      %dma_wait3A_93 = tpu.memref_slice %arg2[%dma_wait3A_91, %dma_wait3A_92] : memref<20480x128xf32, #tpu.memory_space<hbm>> -> memref<128x128xf32, #tpu.memory_space<hbm>>
      %dma_wait3A_94 = arith.constant 0 : i32
      %dma_wait3A_95 = arith.constant 0 : i32
      %dma_wait3A_96 = tpu.memref_slice %arg2[%dma_wait3A_94, %dma_wait3A_95] : memref<20480x128xf32, #tpu.memory_space<hbm>> -> memref<128x128xf32, #tpu.memory_space<hbm>>
      tpu.wait_dma2 semaphore(%arg14 : memref<!tpu.dma_semaphore, #tpu.memory_space<semaphore_mem>>) src(%dma_wait3A_96 : memref<128x128xf32, #tpu.memory_space<hbm>>) dst(%arg9 : memref<128x128xf32, #tpu.memory_space<vmem>>)
      %add3A_97 = arith.constant 1 : i32
      %add3A_98 = arith.addi %mul3A_90, %add3A_97 : i32
      %mul3A_99 = arith.constant 128 : i32
      %mul3A_100 = arith.muli %add3A_98, %mul3A_99 : i32
      %dma_start3A_101 = tpu.memref_slice %arg6[%mul3A_100] : memref<10240xi32, #tpu.memory_space<vmem>> -> memref<128xi32, #tpu.memory_space<vmem>>
      %dma_start3A_102 = arith.constant 0 : i32
      %dma_start3A_103 = arith.constant 0 : i32
      %dma_start3A_104 = tpu.memref_slice %arg2[%dma_start3A_102, %dma_start3A_103] : memref<20480x128xf32, #tpu.memory_space<hbm>> -> memref<20480x128xf32, #tpu.memory_space<hbm>>
      tpu.enqueue_indirect_dma source(%dma_start3A_104 : memref<20480x128xf32, #tpu.memory_space<hbm>>) target(%arg10 : memref<128x128xf32, #tpu.memory_space<vmem>>) offsets(%dma_start3A_101 : memref<128xi32, #tpu.memory_space<vmem>>) semaphore(%arg15 : memref<!tpu.dma_semaphore, #tpu.memory_space<semaphore_mem>>)
      %dma_wait3A_105 = arith.constant 0 : i32
      %dma_wait3A_106 = tpu.memref_slice %arg4[%dma_wait3A_105] : memref<163840xi32, #tpu.memory_space<hbm>> -> memref<128xi32, #tpu.memory_space<hbm>>
      %dma_wait3A_107 = arith.constant 0 : i32
      %dma_wait3A_108 = tpu.memref_slice %arg4[%dma_wait3A_107] : memref<163840xi32, #tpu.memory_space<hbm>> -> memref<128xi32, #tpu.memory_space<hbm>>
      tpu.wait_dma2 semaphore(%arg12 : memref<!tpu.dma_semaphore, #tpu.memory_space<semaphore_mem>>) src(%dma_wait3A_108 : memref<128xi32, #tpu.memory_space<hbm>>) dst(%arg7 : memref<128xi32, #tpu.memory_space<vmem>>)
      "tpu.region"() ({
        %run_scoped3A = tpu.sem_alloc : memref<!tpu.dma_semaphore, #tpu.memory_space<semaphore_mem>>
        %dma_start3A_142 = arith.constant 0 : i32
        %dma_start3A_143 = arith.constant 0 : i32
        %dma_start3A_144 = tpu.memref_slice %arg11[%dma_start3A_142, %dma_start3A_143] : memref<10240x128xf32, #tpu.memory_space<vmem_shared>> -> memref<10240x128xf32, #tpu.memory_space<vmem_shared>>
        tpu.enqueue_indirect_dma source(%arg9 : memref<128x128xf32, #tpu.memory_space<vmem>>) target(%dma_start3A_144 : memref<10240x128xf32, #tpu.memory_space<vmem_shared>>) offsets(%arg7 : memref<128xi32, #tpu.memory_space<vmem>>) semaphore(%run_scoped3A : memref<!tpu.dma_semaphore, #tpu.memory_space<semaphore_mem>>) {add = true}
        %dma_wait3A_145 = arith.constant 0 : i32
        %dma_wait3A_146 = arith.constant 0 : i32
        %dma_wait3A_147 = tpu.memref_slice %arg11[%dma_wait3A_145, %dma_wait3A_146] : memref<10240x128xf32, #tpu.memory_space<vmem_shared>> -> memref<10240x128xf32, #tpu.memory_space<vmem_shared>>
        tpu.wait_indirect_dma semaphore(%run_scoped3A : memref<!tpu.dma_semaphore, #tpu.memory_space<semaphore_mem>>) src(%arg9 : memref<128x128xf32, #tpu.memory_space<vmem>>) dst(%dma_wait3A_147 : memref<10240x128xf32, #tpu.memory_space<vmem_shared>>)
        tpu.yield
      }) : () -> ()
      %add3A_109 = arith.constant 2 : i32
      %add3A_110 = arith.addi %mul3A_90, %add3A_109 : i32
      %mul3A_111 = arith.constant 128 : i32
      %mul3A_112 = arith.muli %add3A_110, %mul3A_111 : i32
      %add3A_113 = arith.addi %mul3A_2, %mul3A_112 : i32
      %dma_start3A_114 = tpu.memref_slice %arg4[%add3A_113] : memref<163840xi32, #tpu.memory_space<hbm>> -> memref<128xi32, #tpu.memory_space<hbm>>
      %dma_start3A_115 = tpu.memref_slice %arg4[%add3A_113] : memref<163840xi32, #tpu.memory_space<hbm>> -> memref<128xi32, #tpu.memory_space<hbm>>
      tpu.enqueue_dma source(%dma_start3A_115 : memref<128xi32, #tpu.memory_space<hbm>>) target(%arg7 : memref<128xi32, #tpu.memory_space<vmem>>) target_semaphore(%arg12 : memref<!tpu.dma_semaphore, #tpu.memory_space<semaphore_mem>>)
      %dma_wait3A_116 = arith.constant 0 : i32
      %dma_wait3A_117 = arith.constant 0 : i32
      %dma_wait3A_118 = tpu.memref_slice %arg2[%dma_wait3A_116, %dma_wait3A_117] : memref<20480x128xf32, #tpu.memory_space<hbm>> -> memref<128x128xf32, #tpu.memory_space<hbm>>
      %dma_wait3A_119 = arith.constant 0 : i32
      %dma_wait3A_120 = arith.constant 0 : i32
      %dma_wait3A_121 = tpu.memref_slice %arg2[%dma_wait3A_119, %dma_wait3A_120] : memref<20480x128xf32, #tpu.memory_space<hbm>> -> memref<128x128xf32, #tpu.memory_space<hbm>>
      tpu.wait_dma2 semaphore(%arg15 : memref<!tpu.dma_semaphore, #tpu.memory_space<semaphore_mem>>) src(%dma_wait3A_121 : memref<128x128xf32, #tpu.memory_space<hbm>>) dst(%arg10 : memref<128x128xf32, #tpu.memory_space<vmem>>)
      %add3A_122 = arith.constant 2 : i32
      %add3A_123 = arith.addi %mul3A_90, %add3A_122 : i32
      %mul3A_124 = arith.constant 128 : i32
      %mul3A_125 = arith.muli %add3A_123, %mul3A_124 : i32
      %dma_start3A_126 = tpu.memref_slice %arg6[%mul3A_125] : memref<10240xi32, #tpu.memory_space<vmem>> -> memref<128xi32, #tpu.memory_space<vmem>>
      %dma_start3A_127 = arith.constant 0 : i32
      %dma_start3A_128 = arith.constant 0 : i32
      %dma_start3A_129 = tpu.memref_slice %arg2[%dma_start3A_127, %dma_start3A_128] : memref<20480x128xf32, #tpu.memory_space<hbm>> -> memref<20480x128xf32, #tpu.memory_space<hbm>>
      tpu.enqueue_indirect_dma source(%dma_start3A_129 : memref<20480x128xf32, #tpu.memory_space<hbm>>) target(%arg9 : memref<128x128xf32, #tpu.memory_space<vmem>>) offsets(%dma_start3A_126 : memref<128xi32, #tpu.memory_space<vmem>>) semaphore(%arg14 : memref<!tpu.dma_semaphore, #tpu.memory_space<semaphore_mem>>)
      %dma_wait3A_130 = arith.constant 0 : i32
      %dma_wait3A_131 = tpu.memref_slice %arg4[%dma_wait3A_130] : memref<163840xi32, #tpu.memory_space<hbm>> -> memref<128xi32, #tpu.memory_space<hbm>>
      %dma_wait3A_132 = arith.constant 0 : i32
      %dma_wait3A_133 = tpu.memref_slice %arg4[%dma_wait3A_132] : memref<163840xi32, #tpu.memory_space<hbm>> -> memref<128xi32, #tpu.memory_space<hbm>>
      tpu.wait_dma2 semaphore(%arg13 : memref<!tpu.dma_semaphore, #tpu.memory_space<semaphore_mem>>) src(%dma_wait3A_133 : memref<128xi32, #tpu.memory_space<hbm>>) dst(%arg8 : memref<128xi32, #tpu.memory_space<vmem>>)
      "tpu.region"() ({
        %run_scoped3A = tpu.sem_alloc : memref<!tpu.dma_semaphore, #tpu.memory_space<semaphore_mem>>
        %dma_start3A_142 = arith.constant 0 : i32
        %dma_start3A_143 = arith.constant 0 : i32
        %dma_start3A_144 = tpu.memref_slice %arg11[%dma_start3A_142, %dma_start3A_143] : memref<10240x128xf32, #tpu.memory_space<vmem_shared>> -> memref<10240x128xf32, #tpu.memory_space<vmem_shared>>
        tpu.enqueue_indirect_dma source(%arg10 : memref<128x128xf32, #tpu.memory_space<vmem>>) target(%dma_start3A_144 : memref<10240x128xf32, #tpu.memory_space<vmem_shared>>) offsets(%arg8 : memref<128xi32, #tpu.memory_space<vmem>>) semaphore(%run_scoped3A : memref<!tpu.dma_semaphore, #tpu.memory_space<semaphore_mem>>) {add = true}
        %dma_wait3A_145 = arith.constant 0 : i32
        %dma_wait3A_146 = arith.constant 0 : i32
        %dma_wait3A_147 = tpu.memref_slice %arg11[%dma_wait3A_145, %dma_wait3A_146] : memref<10240x128xf32, #tpu.memory_space<vmem_shared>> -> memref<10240x128xf32, #tpu.memory_space<vmem_shared>>
        tpu.wait_indirect_dma semaphore(%run_scoped3A : memref<!tpu.dma_semaphore, #tpu.memory_space<semaphore_mem>>) src(%arg10 : memref<128x128xf32, #tpu.memory_space<vmem>>) dst(%dma_wait3A_147 : memref<10240x128xf32, #tpu.memory_space<vmem_shared>>)
        tpu.yield
      }) : () -> ()
      %add3A_134 = arith.constant 3 : i32
      %add3A_135 = arith.addi %mul3A_90, %add3A_134 : i32
      %mul3A_136 = arith.constant 128 : i32
      %mul3A_137 = arith.muli %add3A_135, %mul3A_136 : i32
      %add3A_138 = arith.addi %mul3A_2, %mul3A_137 : i32
      %dma_start3A_139 = tpu.memref_slice %arg4[%add3A_138] : memref<163840xi32, #tpu.memory_space<hbm>> -> memref<128xi32, #tpu.memory_space<hbm>>
      %dma_start3A_140 = tpu.memref_slice %arg4[%add3A_138] : memref<163840xi32, #tpu.memory_space<hbm>> -> memref<128xi32, #tpu.memory_space<hbm>>
      tpu.enqueue_dma source(%dma_start3A_140 : memref<128xi32, #tpu.memory_space<hbm>>) target(%arg8 : memref<128xi32, #tpu.memory_space<vmem>>) target_semaphore(%arg13 : memref<!tpu.dma_semaphore, #tpu.memory_space<semaphore_mem>>)
      %scan3A_141 = arith.constant 0 : i32
      scf.yield %scan3A_141 : i32
    }
    %scan3A_54 = arith.constant 39 : i32
    %dma_wait3A = arith.constant 0 : i32
    %dma_wait3A_55 = arith.constant 0 : i32
    %dma_wait3A_56 = tpu.memref_slice %arg2[%dma_wait3A, %dma_wait3A_55] : memref<20480x128xf32, #tpu.memory_space<hbm>> -> memref<128x128xf32, #tpu.memory_space<hbm>>
    %dma_wait3A_57 = arith.constant 0 : i32
    %dma_wait3A_58 = arith.constant 0 : i32
    %dma_wait3A_59 = tpu.memref_slice %arg2[%dma_wait3A_57, %dma_wait3A_58] : memref<20480x128xf32, #tpu.memory_space<hbm>> -> memref<128x128xf32, #tpu.memory_space<hbm>>
    tpu.wait_dma2 semaphore(%arg14 : memref<!tpu.dma_semaphore, #tpu.memory_space<semaphore_mem>>) src(%dma_wait3A_59 : memref<128x128xf32, #tpu.memory_space<hbm>>) dst(%arg9 : memref<128x128xf32, #tpu.memory_space<vmem>>)
    %dma_start3A_60 = arith.constant 10112 : i32
    %dma_start3A_61 = tpu.memref_slice %arg6[%dma_start3A_60] : memref<10240xi32, #tpu.memory_space<vmem>> -> memref<128xi32, #tpu.memory_space<vmem>>
    %dma_start3A_62 = arith.constant 0 : i32
    %dma_start3A_63 = arith.constant 0 : i32
    %dma_start3A_64 = tpu.memref_slice %arg2[%dma_start3A_62, %dma_start3A_63] : memref<20480x128xf32, #tpu.memory_space<hbm>> -> memref<20480x128xf32, #tpu.memory_space<hbm>>
    tpu.enqueue_indirect_dma source(%dma_start3A_64 : memref<20480x128xf32, #tpu.memory_space<hbm>>) target(%arg10 : memref<128x128xf32, #tpu.memory_space<vmem>>) offsets(%dma_start3A_61 : memref<128xi32, #tpu.memory_space<vmem>>) semaphore(%arg15 : memref<!tpu.dma_semaphore, #tpu.memory_space<semaphore_mem>>)
    %dma_wait3A_65 = arith.constant 0 : i32
    %dma_wait3A_66 = tpu.memref_slice %arg4[%dma_wait3A_65] : memref<163840xi32, #tpu.memory_space<hbm>> -> memref<128xi32, #tpu.memory_space<hbm>>
    %dma_wait3A_67 = arith.constant 0 : i32
    %dma_wait3A_68 = tpu.memref_slice %arg4[%dma_wait3A_67] : memref<163840xi32, #tpu.memory_space<hbm>> -> memref<128xi32, #tpu.memory_space<hbm>>
    tpu.wait_dma2 semaphore(%arg12 : memref<!tpu.dma_semaphore, #tpu.memory_space<semaphore_mem>>) src(%dma_wait3A_68 : memref<128xi32, #tpu.memory_space<hbm>>) dst(%arg7 : memref<128xi32, #tpu.memory_space<vmem>>)
    "tpu.region"() ({
      %run_scoped3A = tpu.sem_alloc : memref<!tpu.dma_semaphore, #tpu.memory_space<semaphore_mem>>
      %dma_start3A_87 = arith.constant 0 : i32
      %dma_start3A_88 = arith.constant 0 : i32
      %dma_start3A_89 = tpu.memref_slice %arg11[%dma_start3A_87, %dma_start3A_88] : memref<10240x128xf32, #tpu.memory_space<vmem_shared>> -> memref<10240x128xf32, #tpu.memory_space<vmem_shared>>
      tpu.enqueue_indirect_dma source(%arg9 : memref<128x128xf32, #tpu.memory_space<vmem>>) target(%dma_start3A_89 : memref<10240x128xf32, #tpu.memory_space<vmem_shared>>) offsets(%arg7 : memref<128xi32, #tpu.memory_space<vmem>>) semaphore(%run_scoped3A : memref<!tpu.dma_semaphore, #tpu.memory_space<semaphore_mem>>) {add = true}
      %dma_wait3A_90 = arith.constant 0 : i32
      %dma_wait3A_91 = arith.constant 0 : i32
      %dma_wait3A_92 = tpu.memref_slice %arg11[%dma_wait3A_90, %dma_wait3A_91] : memref<10240x128xf32, #tpu.memory_space<vmem_shared>> -> memref<10240x128xf32, #tpu.memory_space<vmem_shared>>
      tpu.wait_indirect_dma semaphore(%run_scoped3A : memref<!tpu.dma_semaphore, #tpu.memory_space<semaphore_mem>>) src(%arg9 : memref<128x128xf32, #tpu.memory_space<vmem>>) dst(%dma_wait3A_92 : memref<10240x128xf32, #tpu.memory_space<vmem_shared>>)
      tpu.yield
    }) : () -> ()
    %dma_wait3A_69 = arith.constant 0 : i32
    %dma_wait3A_70 = arith.constant 0 : i32
    %dma_wait3A_71 = tpu.memref_slice %arg2[%dma_wait3A_69, %dma_wait3A_70] : memref<20480x128xf32, #tpu.memory_space<hbm>> -> memref<128x128xf32, #tpu.memory_space<hbm>>
    %dma_wait3A_72 = arith.constant 0 : i32
    %dma_wait3A_73 = arith.constant 0 : i32
    %dma_wait3A_74 = tpu.memref_slice %arg2[%dma_wait3A_72, %dma_wait3A_73] : memref<20480x128xf32, #tpu.memory_space<hbm>> -> memref<128x128xf32, #tpu.memory_space<hbm>>
    tpu.wait_dma2 semaphore(%arg15 : memref<!tpu.dma_semaphore, #tpu.memory_space<semaphore_mem>>) src(%dma_wait3A_74 : memref<128x128xf32, #tpu.memory_space<hbm>>) dst(%arg10 : memref<128x128xf32, #tpu.memory_space<vmem>>)
    %dma_wait3A_75 = arith.constant 0 : i32
    %dma_wait3A_76 = tpu.memref_slice %arg4[%dma_wait3A_75] : memref<163840xi32, #tpu.memory_space<hbm>> -> memref<128xi32, #tpu.memory_space<hbm>>
    %dma_wait3A_77 = arith.constant 0 : i32
    %dma_wait3A_78 = tpu.memref_slice %arg4[%dma_wait3A_77] : memref<163840xi32, #tpu.memory_space<hbm>> -> memref<128xi32, #tpu.memory_space<hbm>>
    tpu.wait_dma2 semaphore(%arg13 : memref<!tpu.dma_semaphore, #tpu.memory_space<semaphore_mem>>) src(%dma_wait3A_78 : memref<128xi32, #tpu.memory_space<hbm>>) dst(%arg8 : memref<128xi32, #tpu.memory_space<vmem>>)
    "tpu.region"() ({
      %run_scoped3A = tpu.sem_alloc : memref<!tpu.dma_semaphore, #tpu.memory_space<semaphore_mem>>
      %dma_start3A_87 = arith.constant 0 : i32
      %dma_start3A_88 = arith.constant 0 : i32
      %dma_start3A_89 = tpu.memref_slice %arg11[%dma_start3A_87, %dma_start3A_88] : memref<10240x128xf32, #tpu.memory_space<vmem_shared>> -> memref<10240x128xf32, #tpu.memory_space<vmem_shared>>
      tpu.enqueue_indirect_dma source(%arg10 : memref<128x128xf32, #tpu.memory_space<vmem>>) target(%dma_start3A_89 : memref<10240x128xf32, #tpu.memory_space<vmem_shared>>) offsets(%arg8 : memref<128xi32, #tpu.memory_space<vmem>>) semaphore(%run_scoped3A : memref<!tpu.dma_semaphore, #tpu.memory_space<semaphore_mem>>) {add = true}
      %dma_wait3A_90 = arith.constant 0 : i32
      %dma_wait3A_91 = arith.constant 0 : i32
      %dma_wait3A_92 = tpu.memref_slice %arg11[%dma_wait3A_90, %dma_wait3A_91] : memref<10240x128xf32, #tpu.memory_space<vmem_shared>> -> memref<10240x128xf32, #tpu.memory_space<vmem_shared>>
      tpu.wait_indirect_dma semaphore(%run_scoped3A : memref<!tpu.dma_semaphore, #tpu.memory_space<semaphore_mem>>) src(%arg10 : memref<128x128xf32, #tpu.memory_space<vmem>>) dst(%dma_wait3A_92 : memref<10240x128xf32, #tpu.memory_space<vmem_shared>>)
      tpu.yield
    }) : () -> ()
    %barrier3A_79 = arith.constant 0 : index
    tpu.barrier barrier_id(%barrier3A_79)
    %mul3A_80 = arith.constant 640 : i32
    %mul3A_81 = arith.muli %arg1, %mul3A_80 : i32
    %mul3A_82 = arith.constant 10240 : i32
    %mul3A_83 = arith.muli %arg0, %mul3A_82 : i32
    %mul3A_84 = arith.constant 640 : i32
    %mul3A_85 = arith.muli %arg1, %mul3A_84 : i32
    %add3A_86 = arith.addi %mul3A_83, %mul3A_85 : i32
    "tpu.region"() ({
      %run_scoped3A = tpu.sem_alloc : memref<!tpu.dma_semaphore, #tpu.memory_space<semaphore_mem>>
      %dma_start3A_87 = arith.constant 0 : i32
      %dma_start3A_88 = tpu.memref_slice %arg5[%add3A_86, %dma_start3A_87] : memref<20480x128xf32, #tpu.memory_space<hbm>> -> memref<640x128xf32, #tpu.memory_space<hbm>>
      %dma_start3A_89 = arith.constant 0 : i32
      %dma_start3A_90 = tpu.memref_slice %arg11[%mul3A_81, %dma_start3A_89] : memref<10240x128xf32, #tpu.memory_space<vmem_shared>> -> memref<640x128xf32, #tpu.memory_space<vmem_shared>>
      tpu.enqueue_dma source(%dma_start3A_90 : memref<640x128xf32, #tpu.memory_space<vmem_shared>>) target(%dma_start3A_88 : memref<640x128xf32, #tpu.memory_space<hbm>>) target_semaphore(%run_scoped3A : memref<!tpu.dma_semaphore, #tpu.memory_space<semaphore_mem>>)
      %dma_wait3A_91 = arith.constant 0 : i32
      %dma_wait3A_92 = tpu.memref_slice %arg5[%add3A_86, %dma_wait3A_91] : memref<20480x128xf32, #tpu.memory_space<hbm>> -> memref<640x128xf32, #tpu.memory_space<hbm>>
      %dma_wait3A_93 = arith.constant 0 : i32
      %dma_wait3A_94 = tpu.memref_slice %arg11[%mul3A_81, %dma_wait3A_93] : memref<10240x128xf32, #tpu.memory_space<vmem_shared>> -> memref<640x128xf32, #tpu.memory_space<vmem_shared>>
      tpu.wait_dma2 semaphore(%run_scoped3A : memref<!tpu.dma_semaphore, #tpu.memory_space<semaphore_mem>>) src(%dma_wait3A_94 : memref<640x128xf32, #tpu.memory_space<vmem_shared>>) dst(%dma_wait3A_92 : memref<640x128xf32, #tpu.memory_space<hbm>>)
      tpu.yield
    }) : () -> ()
    return
  }
}

module attributes {stable_mosaic.version = 14 : i64} {
  func.func @_mm_pre_body(%arg0: i32, %arg1: memref<2048x256xf32, #tpu.memory_space<vmem>>, %arg2: memref<2048x32xf32, #tpu.memory_space<vmem>>, %arg3: memref<256x256xf32, #tpu.memory_space<vmem>>, %arg4: memref<2x2048x128xf32, #tpu.memory_space<vmem>>, %arg5: memref<2048x1xf32, #tpu.memory_space<vmem>>, %arg6: memref<2048x1xf32, #tpu.memory_space<vmem>>) attributes {dimension_semantics = [#tpu.dimension_semantics<arbitrary>], iteration_bounds = array<i64: 5>, scalar_prefetch = 0 : i64, scratch_operands = 0 : i64, tpu.core_type = #tpu.core_type<tc>, window_params = [{transform_indices = @transform_0, window_bounds = array<i64: 2048, 256>}, {transform_indices = @transform_1, window_bounds = array<i64: 2048, 32>}, {pipeline_mode = #tpu.pipeline_mode<synchronous>, transform_indices = @transform_2, window_bounds = array<i64: 256, 256>}, {transform_indices = @transform_3, window_bounds = array<i64: 2, 2048, 128>}, {transform_indices = @transform_4, window_bounds = array<i64: 2048, 1>}, {transform_indices = @transform_5, window_bounds = array<i64: 2048, 1>}]} {
    %get3A = arith.constant 0 : index
    %get3A_0 = arith.constant 0 : index
    %get3A_1 = vector.load %arg2[%get3A, %get3A_0] : memref<2048x32xf32, #tpu.memory_space<vmem>>, vector<2048x32xf32>
    %slice3A = vector.extract_strided_slice %get3A_1 {offsets = [0, 0], sizes = [2048, 16], strides = [1, 1]} : vector<2048x32xf32> to vector<2048x16xf32>
    %reduce_sum3A = arith.constant dense<0.000000e+00> : vector<2048xf32>
    %reduce_sum3A_2 = vector.multi_reduction <add>, %slice3A, %reduce_sum3A [1] : vector<2048x16xf32> to vector<2048xf32>
    %broadcast_in_dim3A = vector.shape_cast %reduce_sum3A_2 : vector<2048xf32> to vector<2048x1xf32>
    %slice3A_3 = vector.extract_strided_slice %get3A_1 {offsets = [0, 16], sizes = [2048, 16], strides = [1, 1]} : vector<2048x32xf32> to vector<2048x16xf32>
    %reduce_sum3A_4 = arith.constant dense<0.000000e+00> : vector<2048xf32>
    %reduce_sum3A_5 = vector.multi_reduction <add>, %slice3A_3, %reduce_sum3A_4 [1] : vector<2048x16xf32> to vector<2048xf32>
    %broadcast_in_dim3A_6 = vector.shape_cast %reduce_sum3A_5 : vector<2048xf32> to vector<2048x1xf32>
    %max3A = arith.constant 1.000000e+00 : f32
    %max3A_7 = vector.broadcast %max3A : f32 to vector<2048x1xf32>
    %max3A_8 = arith.maximumf %broadcast_in_dim3A, %max3A_7 : vector<2048x1xf32>
    %rsqrt3A = math.rsqrt %max3A_8 : vector<2048x1xf32>
    %max3A_9 = arith.constant 1.000000e+00 : f32
    %max3A_10 = vector.broadcast %max3A_9 : f32 to vector<2048x1xf32>
    %max3A_11 = arith.maximumf %broadcast_in_dim3A_6, %max3A_10 : vector<2048x1xf32>
    %rsqrt3A_12 = math.rsqrt %max3A_11 : vector<2048x1xf32>
    %swap3A = arith.constant 0 : index
    %swap3A_13 = arith.constant 0 : index
    %swap3A_14 = vector.load %arg5[%swap3A, %swap3A_13] : memref<2048x1xf32, #tpu.memory_space<vmem>>, vector<2048x1xf32>
    tpu.vector_store %arg5[%swap3A, %swap3A_13], %rsqrt3A {strides = array<i32>} : memref<2048x1xf32, #tpu.memory_space<vmem>>, vector<2048x1xf32>,
    %swap3A_15 = arith.constant 0 : index
    %swap3A_16 = arith.constant 0 : index
    %swap3A_17 = vector.load %arg6[%swap3A_15, %swap3A_16] : memref<2048x1xf32, #tpu.memory_space<vmem>>, vector<2048x1xf32>
    tpu.vector_store %arg6[%swap3A_15, %swap3A_16], %rsqrt3A_12 {strides = array<i32>} : memref<2048x1xf32, #tpu.memory_space<vmem>>, vector<2048x1xf32>,
    %get3A_18 = arith.constant 0 : index
    %get3A_19 = arith.constant 0 : index
    %get3A_20 = vector.load %arg1[%get3A_18, %get3A_19] : memref<2048x256xf32, #tpu.memory_space<vmem>>, vector<2048x256xf32>
    %mul3A = vector.broadcast %rsqrt3A : vector<2048x1xf32> to vector<2048x256xf32>
    %mul3A_21 = arith.mulf %get3A_20, %mul3A : vector<2048x256xf32>
    %get3A_22 = arith.constant 0 : index
    %get3A_23 = arith.constant 0 : index
    %get3A_24 = vector.load %arg3[%get3A_22, %get3A_23] : memref<256x256xf32, #tpu.memory_space<vmem>>, vector<256x256xf32>
    %dot_general3A = arith.constant dense<0.000000e+00> : vector<2048x256xf32>
    %dot_general3A_25 = tpu.matmul %mul3A_21, %get3A_24, %dot_general3A {dimension_numbers = #tpu.dot_dimension_numbers<[1], [0], [0], [1], [0, 0, 1, 1], [], []>, transpose_lhs_hint = false} : vector<2048x256xf32>, vector<256x256xf32>, vector<2048x256xf32> -> vector<2048x256xf32>
    %slice3A_26 = vector.extract_strided_slice %dot_general3A_25 {offsets = [0, 0], sizes = [2048, 128], strides = [1, 1]} : vector<2048x256xf32> to vector<2048x128xf32>
    %swap3A_27 = arith.constant 0 : index
    %swap3A_28 = arith.constant 0 : index
    %swap3A_29 = arith.constant 0 : index
    %swap3A_30 = vector.load %arg4[%swap3A_27, %swap3A_28, %swap3A_29] : memref<2x2048x128xf32, #tpu.memory_space<vmem>>, vector<1x2048x128xf32>
    %swap3A_31 = vector.shape_cast %swap3A_30 : vector<1x2048x128xf32> to vector<2048x128xf32>
    %swap3A_32 = vector.shape_cast %slice3A_26 : vector<2048x128xf32> to vector<1x2048x128xf32>
    tpu.vector_store %arg4[%swap3A_27, %swap3A_28, %swap3A_29], %swap3A_32 {strides = array<i32>} : memref<2x2048x128xf32, #tpu.memory_space<vmem>>, vector<1x2048x128xf32>,
    %slice3A_33 = vector.extract_strided_slice %dot_general3A_25 {offsets = [0, 128], sizes = [2048, 128], strides = [1, 1]} : vector<2048x256xf32> to vector<2048x128xf32>
    %swap3A_34 = arith.constant 1 : index
    %swap3A_35 = arith.constant 0 : index
    %swap3A_36 = arith.constant 0 : index
    %swap3A_37 = vector.load %arg4[%swap3A_34, %swap3A_35, %swap3A_36] : memref<2x2048x128xf32, #tpu.memory_space<vmem>>, vector<1x2048x128xf32>
    %swap3A_38 = vector.shape_cast %swap3A_37 : vector<1x2048x128xf32> to vector<2048x128xf32>
    %swap3A_39 = vector.shape_cast %slice3A_33 : vector<2048x128xf32> to vector<1x2048x128xf32>
    tpu.vector_store %arg4[%swap3A_34, %swap3A_35, %swap3A_36], %swap3A_39 {strides = array<i32>} : memref<2x2048x128xf32, #tpu.memory_space<vmem>>, vector<1x2048x128xf32>,
    return
  }
  func.func @transform_0(%arg0: i32) -> (i32, i32) {
    %c0_i32 = arith.constant 0 : i32
    %c0_i32_0 = arith.constant 0 : i32
    return %arg0, %c0_i32 : i32, i32
  }
  func.func @transform_1(%arg0: i32) -> (i32, i32) {
    %c0_i32 = arith.constant 0 : i32
    %c0_i32_0 = arith.constant 0 : i32
    return %arg0, %c0_i32 : i32, i32
  }
  func.func @transform_2(%arg0: i32) -> (i32, i32) {
    %c0_i32 = arith.constant 0 : i32
    %c0_i32_0 = arith.constant 0 : i32
    %c0_i32_1 = arith.constant 0 : i32
    return %c0_i32, %c0_i32_0 : i32, i32
  }
  func.func @transform_3(%arg0: i32) -> (i32, i32, i32) {
    %c0_i32 = arith.constant 0 : i32
    %c0_i32_0 = arith.constant 0 : i32
    %c0_i32_1 = arith.constant 0 : i32
    return %c0_i32, %arg0, %c0_i32_0 : i32, i32, i32
  }
  func.func @transform_4(%arg0: i32) -> (i32, i32) {
    %c0_i32 = arith.constant 0 : i32
    %c0_i32_0 = arith.constant 0 : i32
    return %arg0, %c0_i32 : i32, i32
  }
  func.func @transform_5(%arg0: i32) -> (i32, i32) {
    %c0_i32 = arith.constant 0 : i32
    %c0_i32_0 = arith.constant 0 : i32
    return %arg0, %c0_i32 : i32, i32
  }
}

module attributes {stable_mosaic.version = 14 : i64} {
  func.func @_mm_mid_body(%arg0: i32, %arg1: memref<1x2048x128xf32, #tpu.memory_space<vmem>>, %arg2: memref<1x2048x128xf32, #tpu.memory_space<vmem>>, %arg3: memref<2048x1xf32, #tpu.memory_space<vmem>>, %arg4: memref<2048x1xf32, #tpu.memory_space<vmem>>, %arg5: memref<1x256xf32, #tpu.memory_space<vmem>>, %arg6: memref<256x256xf32, #tpu.memory_space<vmem>>, %arg7: memref<2x2048x128xf32, #tpu.memory_space<vmem>>) attributes {dimension_semantics = [#tpu.dimension_semantics<arbitrary>], iteration_bounds = array<i64: 5>, scalar_prefetch = 0 : i64, scratch_operands = 0 : i64, tpu.core_type = #tpu.core_type<tc>, window_params = [{transform_indices = @transform_0, window_bounds = array<i64: 1, 2048, 128>}, {transform_indices = @transform_1, window_bounds = array<i64: 1, 2048, 128>}, {transform_indices = @transform_2, window_bounds = array<i64: 2048, 1>}, {transform_indices = @transform_3, window_bounds = array<i64: 2048, 1>}, {pipeline_mode = #tpu.pipeline_mode<synchronous>, transform_indices = @transform_4, window_bounds = array<i64: 1, 256>}, {pipeline_mode = #tpu.pipeline_mode<synchronous>, transform_indices = @transform_5, window_bounds = array<i64: 256, 256>}, {transform_indices = @transform_6, window_bounds = array<i64: 2, 2048, 128>}]} {
    %get3A = arith.constant 0 : index
    %get3A_0 = arith.constant 0 : index
    %get3A_1 = arith.constant 0 : index
    %get3A_2 = vector.load %arg1[%get3A, %get3A_0, %get3A_1] : memref<1x2048x128xf32, #tpu.memory_space<vmem>>, vector<1x2048x128xf32>
    %get3A_3 = vector.shape_cast %get3A_2 : vector<1x2048x128xf32> to vector<2048x128xf32>
    %get3A_4 = arith.constant 0 : index
    %get3A_5 = arith.constant 0 : index
    %get3A_6 = arith.constant 0 : index
    %get3A_7 = vector.load %arg2[%get3A_4, %get3A_5, %get3A_6] : memref<1x2048x128xf32, #tpu.memory_space<vmem>>, vector<1x2048x128xf32>
    %get3A_8 = vector.shape_cast %get3A_7 : vector<1x2048x128xf32> to vector<2048x128xf32>
    %concatenate3A = tpu.concatenate %get3A_3, %get3A_8 in 1 : vector<2048x128xf32>, vector<2048x128xf32> -> vector<2048x256xf32>
    %get3A_9 = arith.constant 0 : index
    %get3A_10 = arith.constant 0 : index
    %get3A_11 = vector.load %arg3[%get3A_9, %get3A_10] : memref<2048x1xf32, #tpu.memory_space<vmem>>, vector<2048x1xf32>
    %mul3A = vector.broadcast %get3A_11 : vector<2048x1xf32> to vector<2048x256xf32>
    %mul3A_12 = arith.mulf %concatenate3A, %mul3A : vector<2048x256xf32>
    %get3A_13 = arith.constant 0 : index
    %get3A_14 = arith.constant 0 : index
    %get3A_15 = vector.load %arg5[%get3A_13, %get3A_14] : memref<1x256xf32, #tpu.memory_space<vmem>>, vector<1x256xf32>
    %add3A = vector.broadcast %get3A_15 : vector<1x256xf32> to vector<2048x256xf32>
    %add3A_16 = arith.addf %mul3A_12, %add3A : vector<2048x256xf32>
    %max3A = arith.constant 0.000000e+00 : f32
    %max3A_17 = vector.broadcast %max3A : f32 to vector<2048x256xf32>
    %max3A_18 = arith.maximumf %add3A_16, %max3A_17 : vector<2048x256xf32>
    %get3A_19 = arith.constant 0 : index
    %get3A_20 = arith.constant 0 : index
    %get3A_21 = vector.load %arg4[%get3A_19, %get3A_20] : memref<2048x1xf32, #tpu.memory_space<vmem>>, vector<2048x1xf32>
    %mul3A_22 = vector.broadcast %get3A_21 : vector<2048x1xf32> to vector<2048x256xf32>
    %mul3A_23 = arith.mulf %max3A_18, %mul3A_22 : vector<2048x256xf32>
    %get3A_24 = arith.constant 0 : index
    %get3A_25 = arith.constant 0 : index
    %get3A_26 = vector.load %arg6[%get3A_24, %get3A_25] : memref<256x256xf32, #tpu.memory_space<vmem>>, vector<256x256xf32>
    %dot_general3A = arith.constant dense<0.000000e+00> : vector<2048x256xf32>
    %dot_general3A_27 = tpu.matmul %mul3A_23, %get3A_26, %dot_general3A {dimension_numbers = #tpu.dot_dimension_numbers<[1], [0], [0], [1], [0, 0, 1, 1], [], []>, transpose_lhs_hint = false} : vector<2048x256xf32>, vector<256x256xf32>, vector<2048x256xf32> -> vector<2048x256xf32>
    %slice3A = vector.extract_strided_slice %dot_general3A_27 {offsets = [0, 0], sizes = [2048, 128], strides = [1, 1]} : vector<2048x256xf32> to vector<2048x128xf32>
    %swap3A = arith.constant 0 : index
    %swap3A_28 = arith.constant 0 : index
    %swap3A_29 = arith.constant 0 : index
    %swap3A_30 = vector.load %arg7[%swap3A, %swap3A_28, %swap3A_29] : memref<2x2048x128xf32, #tpu.memory_space<vmem>>, vector<1x2048x128xf32>
    %swap3A_31 = vector.shape_cast %swap3A_30 : vector<1x2048x128xf32> to vector<2048x128xf32>
    %swap3A_32 = vector.shape_cast %slice3A : vector<2048x128xf32> to vector<1x2048x128xf32>
    tpu.vector_store %arg7[%swap3A, %swap3A_28, %swap3A_29], %swap3A_32 {strides = array<i32>} : memref<2x2048x128xf32, #tpu.memory_space<vmem>>, vector<1x2048x128xf32>,
    %slice3A_33 = vector.extract_strided_slice %dot_general3A_27 {offsets = [0, 128], sizes = [2048, 128], strides = [1, 1]} : vector<2048x256xf32> to vector<2048x128xf32>
    %swap3A_34 = arith.constant 1 : index
    %swap3A_35 = arith.constant 0 : index
    %swap3A_36 = arith.constant 0 : index
    %swap3A_37 = vector.load %arg7[%swap3A_34, %swap3A_35, %swap3A_36] : memref<2x2048x128xf32, #tpu.memory_space<vmem>>, vector<1x2048x128xf32>
    %swap3A_38 = vector.shape_cast %swap3A_37 : vector<1x2048x128xf32> to vector<2048x128xf32>
    %swap3A_39 = vector.shape_cast %slice3A_33 : vector<2048x128xf32> to vector<1x2048x128xf32>
    tpu.vector_store %arg7[%swap3A_34, %swap3A_35, %swap3A_36], %swap3A_39 {strides = array<i32>} : memref<2x2048x128xf32, #tpu.memory_space<vmem>>, vector<1x2048x128xf32>,
    return
  }
  func.func @transform_0(%arg0: i32) -> (i32, i32, i32) {
    %c0_i32 = arith.constant 0 : i32
    %c0_i32_0 = arith.constant 0 : i32
    %c0_i32_1 = arith.constant 0 : i32
    return %c0_i32, %arg0, %c0_i32_0 : i32, i32, i32
  }
  func.func @transform_1(%arg0: i32) -> (i32, i32, i32) {
    %c1_i32 = arith.constant 1 : i32
    %c0_i32 = arith.constant 0 : i32
    %c0_i32_0 = arith.constant 0 : i32
    return %c1_i32, %arg0, %c0_i32 : i32, i32, i32
  }
  func.func @transform_2(%arg0: i32) -> (i32, i32) {
    %c0_i32 = arith.constant 0 : i32
    %c0_i32_0 = arith.constant 0 : i32
    return %arg0, %c0_i32 : i32, i32
  }
  func.func @transform_3(%arg0: i32) -> (i32, i32) {
    %c0_i32 = arith.constant 0 : i32
    %c0_i32_0 = arith.constant 0 : i32
    return %arg0, %c0_i32 : i32, i32
  }
  func.func @transform_4(%arg0: i32) -> (i32, i32) {
    %c0_i32 = arith.constant 0 : i32
    %c0_i32_0 = arith.constant 0 : i32
    %c0_i32_1 = arith.constant 0 : i32
    return %c0_i32, %c0_i32_0 : i32, i32
  }
  func.func @transform_5(%arg0: i32) -> (i32, i32) {
    %c0_i32 = arith.constant 0 : i32
    %c0_i32_0 = arith.constant 0 : i32
    %c0_i32_1 = arith.constant 0 : i32
    return %c0_i32, %c0_i32_0 : i32, i32
  }
  func.func @transform_6(%arg0: i32) -> (i32, i32, i32) {
    %c0_i32 = arith.constant 0 : i32
    %c0_i32_0 = arith.constant 0 : i32
    %c0_i32_1 = arith.constant 0 : i32
    return %c0_i32, %arg0, %c0_i32_0 : i32, i32, i32
  }
}

module attributes {stable_mosaic.version = 14 : i64} {
  func.func @_fin_body(%arg0: i32, %arg1: memref<1x2048x128xf32, #tpu.memory_space<vmem>>, %arg2: memref<1x2048x128xf32, #tpu.memory_space<vmem>>, %arg3: memref<2048x1xf32, #tpu.memory_space<vmem>>, %arg4: memref<1x256xf32, #tpu.memory_space<vmem>>, %arg5: memref<2048x256xf32, #tpu.memory_space<vmem>>) attributes {dimension_semantics = [#tpu.dimension_semantics<arbitrary>], iteration_bounds = array<i64: 5>, scalar_prefetch = 0 : i64, scratch_operands = 0 : i64, tpu.core_type = #tpu.core_type<tc>, window_params = [{transform_indices = @transform_0, window_bounds = array<i64: 1, 2048, 128>}, {transform_indices = @transform_1, window_bounds = array<i64: 1, 2048, 128>}, {transform_indices = @transform_2, window_bounds = array<i64: 2048, 1>}, {pipeline_mode = #tpu.pipeline_mode<synchronous>, transform_indices = @transform_3, window_bounds = array<i64: 1, 256>}, {transform_indices = @transform_4, window_bounds = array<i64: 2048, 256>}]} {
    %get3A = arith.constant 0 : index
    %get3A_0 = arith.constant 0 : index
    %get3A_1 = arith.constant 0 : index
    %get3A_2 = vector.load %arg1[%get3A, %get3A_0, %get3A_1] : memref<1x2048x128xf32, #tpu.memory_space<vmem>>, vector<1x2048x128xf32>
    %get3A_3 = vector.shape_cast %get3A_2 : vector<1x2048x128xf32> to vector<2048x128xf32>
    %get3A_4 = arith.constant 0 : index
    %get3A_5 = arith.constant 0 : index
    %get3A_6 = arith.constant 0 : index
    %get3A_7 = vector.load %arg2[%get3A_4, %get3A_5, %get3A_6] : memref<1x2048x128xf32, #tpu.memory_space<vmem>>, vector<1x2048x128xf32>
    %get3A_8 = vector.shape_cast %get3A_7 : vector<1x2048x128xf32> to vector<2048x128xf32>
    %concatenate3A = tpu.concatenate %get3A_3, %get3A_8 in 1 : vector<2048x128xf32>, vector<2048x128xf32> -> vector<2048x256xf32>
    %get3A_9 = arith.constant 0 : index
    %get3A_10 = arith.constant 0 : index
    %get3A_11 = vector.load %arg3[%get3A_9, %get3A_10] : memref<2048x1xf32, #tpu.memory_space<vmem>>, vector<2048x1xf32>
    %mul3A = vector.broadcast %get3A_11 : vector<2048x1xf32> to vector<2048x256xf32>
    %mul3A_12 = arith.mulf %concatenate3A, %mul3A : vector<2048x256xf32>
    %get3A_13 = arith.constant 0 : index
    %get3A_14 = arith.constant 0 : index
    %get3A_15 = vector.load %arg4[%get3A_13, %get3A_14] : memref<1x256xf32, #tpu.memory_space<vmem>>, vector<1x256xf32>
    %add3A = vector.broadcast %get3A_15 : vector<1x256xf32> to vector<2048x256xf32>
    %add3A_16 = arith.addf %mul3A_12, %add3A : vector<2048x256xf32>
    %max3A = arith.constant 0.000000e+00 : f32
    %max3A_17 = vector.broadcast %max3A : f32 to vector<2048x256xf32>
    %max3A_18 = arith.maximumf %add3A_16, %max3A_17 : vector<2048x256xf32>
    %swap3A = arith.constant 0 : index
    %swap3A_19 = arith.constant 0 : index
    %swap3A_20 = vector.load %arg5[%swap3A, %swap3A_19] : memref<2048x256xf32, #tpu.memory_space<vmem>>, vector<2048x256xf32>
    tpu.vector_store %arg5[%swap3A, %swap3A_19], %max3A_18 {strides = array<i32>} : memref<2048x256xf32, #tpu.memory_space<vmem>>, vector<2048x256xf32>,
    return
  }
  func.func @transform_0(%arg0: i32) -> (i32, i32, i32) {
    %c0_i32 = arith.constant 0 : i32
    %c0_i32_0 = arith.constant 0 : i32
    %c0_i32_1 = arith.constant 0 : i32
    return %c0_i32, %arg0, %c0_i32_0 : i32, i32, i32
  }
  func.func @transform_1(%arg0: i32) -> (i32, i32, i32) {
    %c1_i32 = arith.constant 1 : i32
    %c0_i32 = arith.constant 0 : i32
    %c0_i32_0 = arith.constant 0 : i32
    return %c1_i32, %arg0, %c0_i32 : i32, i32, i32
  }
  func.func @transform_2(%arg0: i32) -> (i32, i32) {
    %c0_i32 = arith.constant 0 : i32
    %c0_i32_0 = arith.constant 0 : i32
    return %arg0, %c0_i32 : i32, i32
  }
  func.func @transform_3(%arg0: i32) -> (i32, i32) {
    %c0_i32 = arith.constant 0 : i32
    %c0_i32_0 = arith.constant 0 : i32
    %c0_i32_1 = arith.constant 0 : i32
    return %c0_i32, %c0_i32_0 : i32, i32
  }
  func.func @transform_4(%arg0: i32) -> (i32, i32) {
    %c0_i32 = arith.constant 0 : i32
    %c0_i32_0 = arith.constant 0 : i32
    return %arg0, %c0_i32 : i32, i32
  }
}

</mosaic_0001>

<sc_bundles>
// kernel: kernel.11.cloned.1.call-start
scs
__scs_entry_jumppad:
0x0: {  	(pc) =	sbr.rel $0x88, $3  }
0x1: {  	(tag) =	ssettag $0x0;
	lr =	simm.s32 $0x1  }
0x2: {  	[smem:$0x3F9B] =	sst lr;
	_ =	strace $0xD0000000  }
0x3: {  	_ = 	snop  }
0x4: {  	_ = 	snop  }
0x5: {  	_ = 	snop  }
0x6: {  	_ = 	snop  }
0x7: {  	_ = 	snop  }
__scs_overlays_trampoline_lowered:
0x8: {  	[smem:$0x3FAA] =	sst s0  }
0x9: {  	[smem:$0x3FAB] =	sst s1  }
0xa: {  	[smem:$0x3FAC] =	sst s2  }
0xb: {  	[smem:$0x3FAD] =	sst s3  }
0xc: {  	[smem:$0x3FAE] =	sst s4  }
0xd: {  	[smem:$0x3FAF] =	sst s5  }
0xe: {  	[smem:$0x3FB0] =	sst s6  }
0xf: {  	[smem:$0x3FB1] =	sst s7  }
0x10: {  	[smem:$0x3FB2] =	sst s8  }
0x11: {  	[smem:$0x3FB3] =	sst s9;
	s0 =	simm.s32 @!p0 $0x0  }
0x12: {  	s1 =	sld [smem:$0x3F99];
	s0 =	simm.s32 @p0 $0x1  }
0x13: {  	[smem:$0x3FB4] =	sst s0;
	s0 =	simm.s32 @!p1 $0x0  }
0x14: {  	s2 =	sld [smem:$0x3F98];
	s0 =	simm.s32 @p1 $0x1  }
0x15: {  	[smem:$0x3FB5] =	sst s0;
	s0 =	simm.s32 @!p2 $0x0  }
0x16: {  	s3 =	sld [smem:$0x3FDB];
	s0 =	simm.s32 @p2 $0x1  }
0x17: {  	s4 =	simm.s32 $0x1BF5;
	[smem:$0x3FB7] =	sst s0  }
0x18: {  	s0 =	sld [smem:$0x3F9A];
	_ =	swait.ge [sflag:s4], $0x0  }
0x19: {  	s7 =	sld [smem:$0x3F9B]  }
0x1a: {  	s8 =	sadd.s32 $0xFFFFE003, lr  }
0x1b: {  	s9 =	sadd.s32 $0xFFFFFEF7, lr;
	s5 =	simm.s32 $0xFFFFFFFF;
	p2 =	slt.u32 s8, $0xFFFFF086  }
0x1c: {  	p1 =	slt.u32 s9, $0xF7A;
	s5 =	simm.s32 @!p2 $0x0  }
0x1d: {  	s5 =	simm.s32 @p1 $0x1;
	p0 =	seq.s32 s7, s2  }
0x1e: {  	s7 =	smul.u32 @!p0 $0xF7A, s2;
	p2 =	seq.s32 @!p0 s5, $0x0  }
0x1f: {  	s9 =	smul.u32 $0xF7A, s1;
	s8 =	simm.s32 @!p0 $0x1BF5;
	p2 =	por !p2, p0  }
0x20: {  	[sflag:s8] =	ssyncset.s32 @!p0 $0xFFFFF086;
	s6 =	sadd.s32 @!p0 s3, s7;
	s7 =	simm.s32 @!p0 $0x108  }
0x21: {  	s3 =	sadd.s32 s3, s9;
	s6 =	sadd.s32 @!p0 $0x88, s6;
	s7 =	simm.s32 @p2 $0x1082  }
0x22: {  	[simem:s7], [sflag:s8] =	dma.local @!p0 [hbm:s6], $0xF7A  }
0x23: {  	s9 =	sor.u32 $0xD0000000, s2;
	s6 =	simm.s32 $0x108;
	_ =	swait.ge @!p0 [sflag:s8], $0x0  }
0x24: {  	s3 =	sadd.s32 $0x88, s3;
	s6 =	simm.s32 @!p1 $0x1082;
	[sflag:s4] =	ssyncset.s32 $0xFFFFF086  }
0x25: {  	[simem:s6], [sflag:s4] =	dma.local [hbm:s3], $0xF7A  }
0x26: {  	[smem:$0x3F9B] =	sst s1;
	(tag) =	ssettag s2;
	_ =	strace s9  }
0x27: {  	s1 =	sld [smem:$0x3FAB]  }
0x28: {  	s2 =	sld [smem:$0x3FAC]  }
0x29: {  	s4 =	sld [smem:$0x3FAE]  }
0x2a: {  	p0 =	seq.s32 s5, $0x0;
	s5 =	sld [smem:$0x3FAF]  }
0x2b: {  	s6 =	sld [smem:$0x3FB0]  }
0x2c: {  	s7 =	sld [smem:$0x3FB1]  }
0x2d: {  	s3 =	simm.s32 $0x108;
	s8 =	sld [smem:$0x3FB2]  }
0x2e: {  	s3 =	simm.s32 @!p0 $0x1082;
	s9 =	sld [smem:$0x3FB3]  }
0x2f: {  	lr =	sadd.s32 s0, s3;
	s0 =	sld [smem:$0x3FAA]  }
0x30: {  	s3 =	sld [smem:$0x3FAD]  }
0x31: {  	[smem:$0x3FB6] =	sst s10  }
0x32: {  	s10 =	sld [smem:$0x3FB4];
	_ =	sdelay $0x3  }
0x33: {  	p0 =	seq.s32 s10, $0x1;
	s10 =	sld [smem:$0x3FB6];
	_ =	sdelay $0x3  }
0x34: {  	[smem:$0x3FB6] =	sst s10  }
0x35: {  	s10 =	sld [smem:$0x3FB5];
	_ =	sdelay $0x3  }
0x36: {  	p1 =	seq.s32 s10, $0x1;
	s10 =	sld [smem:$0x3FB6];
	_ =	sdelay $0x3  }
0x37: {  	[smem:$0x3FB6] =	sst s10  }
0x38: {  	s10 =	sld [smem:$0x3FB7]  }
0x39: {  	_ = 	snop;
	(pc) =	sbr.ind lr, $3  }
0x3a: {  	_ = 	snop  }
0x3b: {  	_ = 	snop  }
0x3c: {  	p2 =	seq.s32 s10, $0x1;
	s10 =	sld [smem:$0x3FB6]  }
0x3d: {  	_ =	shalt  }
0x3e: {  	_ =	shalt  }
0x3f: {  	_ =	shalt  }
0x40: {  	_ =	shalt  }
0x41: {  	_ =	shalt  }
0x42: {  	_ =	shalt  }
0x43: {  	_ =	shalt  }
0x44: {  	_ =	shalt  }
0x45: {  	_ =	shalt  }
0x46: {  	_ =	shalt  }
0x47: {  	_ =	shalt  }
0x48: {  	_ =	shalt  }
0x49: {  	_ =	shalt  }
0x4a: {  	_ =	shalt  }
0x4b: {  	_ =	shalt  }
0x4c: {  	_ =	shalt  }
0x4d: {  	_ =	shalt  }
0x4e: {  	_ =	shalt  }
0x4f: {  	_ =	shalt  }
0x50: {  	_ =	shalt  }
0x51: {  	_ =	shalt  }
0x52: {  	_ =	shalt  }
0x53: {  	_ =	shalt  }
0x54: {  	_ =	shalt  }
0x55: {  	_ =	shalt  }
0x56: {  	_ =	shalt  }
0x57: {  	_ =	shalt  }
0x58: {  	_ =	shalt  }
0x59: {  	_ =	shalt  }
0x5a: {  	_ =	shalt  }
0x5b: {  	_ =	shalt  }
0x5c: {  	_ =	shalt  }
0x5d: {  	_ =	shalt  }
0x5e: {  	_ =	shalt  }
0x5f: {  	_ =	shalt  }
0x60: {  	_ =	shalt  }
0x61: {  	_ =	shalt  }
0x62: {  	_ =	shalt  }
0x63: {  	_ =	shalt  }
0x64: {  	_ =	shalt  }
0x65: {  	_ =	shalt  }
0x66: {  	_ =	shalt  }
0x67: {  	_ =	shalt  }
0x68: {  	_ =	shalt  }
0x69: {  	_ =	shalt  }
0x6a: {  	_ =	shalt  }
0x6b: {  	_ =	shalt  }
0x6c: {  	_ =	shalt  }
0x6d: {  	_ =	shalt  }
0x6e: {  	_ =	shalt  }
0x6f: {  	_ =	shalt  }
0x70: {  	_ =	shalt  }
0x71: {  	_ =	shalt  }
0x72: {  	_ =	shalt  }
0x73: {  	_ =	shalt  }
0x74: {  	_ =	shalt  }
0x75: {  	_ =	shalt  }
0x76: {  	_ =	shalt  }
0x77: {  	_ =	shalt  }
0x78: {  	_ =	shalt  }
0x79: {  	_ =	shalt  }
0x7a: {  	_ =	shalt  }
0x7b: {  	_ =	shalt  }
0x7c: {  	_ =	shalt  }
0x7d: {  	_ =	shalt  }
0x7e: {  	_ =	shalt  }
0x7f: {  	_ =	shalt  }
0x80: {  	_ =	shalt  }
0x81: {  	_ =	shalt  }
0x82: {  	_ =	shalt  }
0x83: {  	_ =	shalt  }
0x84: {  	_ =	shalt  }
0x85: {  	_ =	shalt  }
0x86: {  	_ =	shalt  }
0x87: {  	_ =	shalt  }
.Lfunc_end0:
.L_simem_size_0:
called_computation.1_lowered:
.L_overlay_start_0:
0x88: {  	s2 =	sld [smem:$0x3FD9]  }
0x89: {  	s3 =	sld [smem:$0x3FFE];
	_ =	sdelay $0x1  }
0x8a: {  	s1 =	srdreg.scid  }
0x8b: {  	s0 =	sand.u32 $0x1, s1  }
0x8c: {  	s16 =	sshll.u32 s0, $0xA;
	s2 =	sadd.s32 s3, s2  }
0x8d: {  	s2 =	sadd.s32 s2, s16  }
0x8e: {  	[smem:$0x3FC2] =	sst s2  }
0x8f: {  	_ = 	snop  }
0x90: {  	(tm) =	ssettm $0x1  }
0x91: {  	s17 =	sld [smem:$0x3FFB];
	_ =	sdelay $0x3  }
0x92: {  	_ =	strace s17  }
0x93: {  	s2 =	sld [smem:$0x3FFC];
	_ =	sdelay $0x3  }
0x94: {  	_ =	strace s2  }
0x95: {  	s2 =	sld [smem:$0x3FFD];
	_ =	sdelay $0x3  }
0x96: {  	_ =	strace s2  }
0x97: {  	_ =	strace $0x8FFFFFFF  }
0x98: {  	s18 =	sld [smem:$0x3FDB];
	_ =	sdelay $0x1  }
0x99: {  	s19 =	simm.s32 $_scs_section_size  }
0x9a: {  	s4 =	simm.s32 $_size__tile_overlayer_lowered;
	s5 =	simm.s32 $_tile_overlayer_lowered  }
0x9b: {  	s22 =	simm.s32 $0x1BFF;
	s21 =	sshll.u32 s5, $0x1;
	s2 =	sadd.s32 s19, s18  }
0x9c: {  	s6 =	simm.s32 $0x0;
	s20 =	sshll.u32 s4, $0x1;
	s4 =	sadd.s32 s21, s2  }
0x9d: {  	[timem:s6], [sflag:s22] =	dma.local [hbm:s4], s20  }
0x9e: {  	_ =	swait.ge [sflag:s22], s20  }
0x9f: {  	s3 =	ssub.s32 $0x0, s20;
	[sflag:s22] =	ssyncset.done $0x0  }
0xa0: {  	[sflag:s22] =	ssyncadd.s32 s3;
	_ =	sdelay $0x1  }
0xa1: {  	s23 =	simm.s32 $0x1B8B  }
0xa2: {  	_ =	swait.ge [sflag:s23], $0x1  }
0xa3: {  	[sflag:s23] =	ssyncset.done $0x0  }
0xa4: {  	s25 =	simm.s32 $0x1B8E;
	s24 =	sld [smem:$0x3FFE];
	[sflag:s23] =	ssyncadd.s32 $0xFFFFFFFF  }
0xa5: {  	s26 =	simm.s32 $execute0_lowered;
	[smem:$0x3FD2] =	sst s25  }
0xa6: {  	s4 =	sshll.u32 s26, $0x1;
	_ =	strace $0x80000049;
	[dreg:$0x1] =	wrdreg $0xFFFFFFFF  }
0xa7: {  	s28 =	simm.s32 $_size_execute0_lowered;
	s2 =	sadd.s32 s2, s4;
	[dreg:$0x0] =	wrdreg $0x0  }
0xa8: {  	s4 =	sshll.u32 s28, $0x1;
	[dreg:$0x2] =	wrdreg s2  }
0xa9: {  	[dreg:$0x3] =	wrdreg s4  }
0xaa: {  	[dreg:$0x4] =	wrdreg $0xC0  }
0xab: {  	_ =	task [dreg:s6], $0x5FFFF  }
0xac: {  	[dreg:$0x1] =	wrdreg $0xFFFFFFFF  }
0xad: {  	[dreg:$0x0] =	wrdreg $0x60  }
0xae: {  	[dreg:$0x2] =	wrdreg s24  }
0xaf: {  	[dreg:$0x3] =	wrdreg $0xA9000  }
0xb0: {  	[dreg:$0x4] =	wrdreg $0x9  }
0xb1: {  	_ =	task.clear_ibuf [dreg:s6], $0x5FFFF;
	_ =	strace $0x90000049  }
0xb2: {  	s29 =	simm.s32 $0x9;
	_ =	strace $0x8000004B  }
0xb3: {  	_ =	swait.ge [sflag:s29], $0x1  }
0xb4: {  	[sflag:s29] =	ssyncadd.s32 $0xFFFFFFFF  }
0xb5: {  	_ =	strace $0x9000004B  }
0xb6: {  	_ =	sfence  }
0xb7: {  	s30 =	sld [smem:$0x0];
	_ =	sdelay $0x2  }
0xb8: {  	s31 =	sshll.u32 s1, $0xD;
	s1 =	sshrl.u32 s1, $0x2  }
0xb9: {  	s3 =	sand.u32 $0x4000, s31;
	s1 =	sadd.s32 s1, s30  }
0xba: {  	s0 =	sor.u32 s3, s0;
	s1 =	sshll.u32 s1, $0x11  }
0xbb: {  	s0 =	sor.u32 s1, s0  }
0xbc: {  	s0 =	sadd.s32 $0x8F2B, s0  }
0xbd: {  	[sflag:s0] =	ssyncadd.remote.s32 $0x1  }
0xbe: {  	_ =	sfence.sel $0xFFFF  }
0xbf: {  	[dreg:$0x0] =	wrdreg $0xFFFFFFFF;
	(pc) =	sbr.abs _section_cstart, $3  }
0xc0: {  	[dreg:$0x1] =	wrdreg $0xFFFFFFFF  }
0xc1: {  	_ =	task.clear_ibuf [dreg:s6], $0x2FFFF;
	_ =	strace $0x9FFFFFFF  }
0xc2: {  	(tm) =	ssettm $0x7FFFFFFF  }
0xc3: {  	_ =	shalt  }
tec
execute0_lowered:
.L_overlay_start_1:
0x0: {  	(tag) =	ssettag $0x1  }
0x1: {  	s5 =	rddreg [dreg:$0x0]  }
0x2: {  	s2 =	rddreg [dreg:$0x1]  }
0x3: {  	s1 =	stileid.u32;
	s4 =	srdreg.scid;
	s3 =	simm.s32 $0x0  }
0x4: {  	s17 =	simm.s32 $0x2900;
	s18 =	simm.s32 $0x2800;
	s19 =	simm.s32 $0x2880  }
0x5: {  	s20 =	simm.s32 $0x80;
	s21 =	simm.s32 $0x3;
	s22 =	simm.s32 $0x6900  }
0x6: {  	s23 =	simm.s32 $0x1;
	s24 =	simm.s32 $0x4;
	s6 =	smul.u32 $0x2800, s1  }
0x7: {  	s26 =	simm.s32 $0x2780;
	s28 =	simm.s32 $0x0;
	s8 =	smul.u32 $0x280, s1  }
0x8: {  	s7 =	sand.u32 $0x1, s4;
	[smem:$0x7FF] =	sst s3;
	s30 =	smul.u32 $0x50000, s1  }
0x9: {  	s4 =	sadd.s32 $0x5B400, s5;
	s15 =	sadd.s32 $0x1400, s5;
	s16 =	smul.u32 $0x500, s1  }
0xa: {  	s25 =	smul.u32 $0x2800, s7;
	_ =	strace $0x8000004A;
	s7 =	ssub.s32 $0x2, s7  }
0xb: {  	s9 =	sshrl.u32 s6, $0x3;
	s6 =	sshrl.u32 s30, $0x2;
	s31 =	sshrl.u32 s7, $0x1  }
0xc: {  	s10 =	sadd.s32 s9, s5;
	s8 =	sadd.s32 s8, s25;
	s14 =	ssub.s32 s7, s31  }
0xd: {  	s9 =	sadd.s32 s15, s9;
	s15 =	sadd.s32 s16, s15;
	s16 =	simm.s32 $0x5  }
0xe: {  	v0 =	vmov s25;
	s25 =	simm.s32 $0x2;
	s8 =	sshll.u32 s8, $0x4;
	s12 =	sadd.s32 $0x10, s9  }
0xf: {  	s14 =	smax.u32 s14, $0x1;
	s13 =	sadd.s32 s8, s5;
	s5 =	sadd.s32 s6, s2  }
0x10: {  	s6 =	sadd.s32 $0x6400, s10;
	s7 =	sadd.s32 $0x4000, s5;
	s8 =	sadd.s32 $0x8000, s5  }
0x11: {  	v1 =	vimm.f32 $0.0e+00;
	s10 =	sadd.s32 $0xC000, s5;
	s11 =	sadd.s32 $0x10000, s5;
	s13 =	sadd.s32 $0xB400, s13  }
.LBB2_1:
0x12: {  	[tilespmem:s3], [sflag:$0x5] =	stream.linear.gather [hbm4b:s6+s3], $0x2800, $0x38;
	[tilespmem:$0x1E900] =	vst v63  }
0x13: {  	_ =	swait.ge [sflag:s16], $0x2800  }
0x14: {  	[sflag:s16] =	ssyncset.done $0x0  }
0x15: {  	s29 =	simm.s32 $0x0;
	s30 =	simm.s32 $0x40;
	[sflag:s16] =	ssyncadd.s32 $0xFFFFD800  }
.LBB2_2:
0x16: {  	p0 =	sne.s32 s30, $0x9FC0;
	v2 =	vld [tilespmem:s29+$0x0];
	_ =	sdelay $0x1  }
.Ltmp0:
0x17: {  	(pc) =	sbr.rel @p0 .LBB2_2-.Ltmp0, $3  }
0x18: {  	_ =	sdelay $0x1  }
0x19: {  	v2 =	vadd.s32 v0, v2  }
0x1a: {  	[tilespmem:s29+$0x0] =	vst v2;
	s29 =	sshra.s32 s30, $0x2;
	s30 =	sadd.s32 $0x40, s30  }
0x1b: {  	v2 =	vld [tilespmem:s29+$0x0];
	_ =	sdelay $0x4  }
0x1c: {  	v2 =	vadd.s32 v0, v2  }
0x1d: {  	s30 =	simm.s32 $0x200;
	[tilespmem:s29+$0x0] =	vst v2;
	s29 =	simm.s32 $0x0  }
.LBB2_4:
0x1e: {  	p0 =	sne.s32 s30, $0xFE00;
	[tilespmem:s29+$0x2970] =	vst v1  }
0x1f: {  	[tilespmem:s29+$0x2900] =	vst v1  }
0x20: {  	[tilespmem:s29+$0x2910] =	vst v1  }
.Ltmp1:
0x21: {  	[tilespmem:s29+$0x2920] =	vst v1;
	(pc) =	sbr.rel @p0 .LBB2_4-.Ltmp1, $4  }
0x22: {  	[tilespmem:s29+$0x2930] =	vst v1  }
0x23: {  	[tilespmem:s29+$0x2940] =	vst v1  }
0x24: {  	[tilespmem:s29+$0x2950] =	vst v1  }
0x25: {  	[tilespmem:s29+$0x2960] =	vst v1;
	s29 =	sshra.s32 s30, $0x2;
	s30 =	sadd.s32 $0x200, s30  }
0x26: {  	[tilespmem:s29+$0x2970] =	vst v1  }
0x27: {  	[tilespmem:s29+$0x2900] =	vst v1  }
0x28: {  	[tilespmem:s29+$0x2910] =	vst v1  }
0x29: {  	[tilespmem:s29+$0x2920] =	vst v1  }
0x2a: {  	[tilespmem:s29+$0x2930] =	vst v1  }
0x2b: {  	[tilespmem:s29+$0x2940] =	vst v1  }
0x2c: {  	[tilespmem:s29+$0x2950] =	vst v1  }
0x2d: {  	[tilespmem:s29+$0x2960] =	vst v1  }
0x2e: {  	[spmem:s5] =	stream.linear.scatter [tilespmem:s17], [sflag:$0x5], $0x4000, $0x38;
	[tilespmem:$0x1E900] =	vst v63  }
0x2f: {  	_ =	swait.ge [sflag:s16], $0x4000  }
0x30: {  	[sflag:s16] =	ssyncset.done $0x0  }
0x31: {  	[sflag:s16] =	ssyncadd.s32 $0xFFFFC000  }
0x32: {  	[spmem:s7] =	stream.linear.scatter [tilespmem:s17], [sflag:$0x5], $0x4000, $0x38;
	[tilespmem:$0x1E900] =	vst v63  }
0x33: {  	_ =	swait.ge [sflag:s16], $0x4000  }
0x34: {  	[sflag:s16] =	ssyncset.done $0x0  }
0x35: {  	[sflag:s16] =	ssyncadd.s32 $0xFFFFC000  }
0x36: {  	[spmem:s8] =	stream.linear.scatter [tilespmem:s17], [sflag:$0x5], $0x4000, $0x38;
	[tilespmem:$0x1E900] =	vst v63  }
0x37: {  	_ =	swait.ge [sflag:s16], $0x4000  }
0x38: {  	[sflag:s16] =	ssyncset.done $0x0  }
0x39: {  	[sflag:s16] =	ssyncadd.s32 $0xFFFFC000  }
0x3a: {  	[spmem:s10] =	stream.linear.scatter [tilespmem:s17], [sflag:$0x5], $0x4000, $0x38;
	[tilespmem:$0x1E900] =	vst v63  }
0x3b: {  	_ =	swait.ge [sflag:s16], $0x4000  }
0x3c: {  	[sflag:s16] =	ssyncset.done $0x0  }
0x3d: {  	[sflag:s16] =	ssyncadd.s32 $0xFFFFC000  }
0x3e: {  	[spmem:s11] =	stream.linear.scatter [tilespmem:s17], [sflag:$0x5], $0x4000, $0x38;
	[tilespmem:$0x1E900] =	vst v63  }
0x3f: {  	_ =	swait.ge [sflag:s16], $0x4000  }
0x40: {  	[sflag:s16] =	ssyncset.done $0x0  }
0x41: {  	[sflag:s16] =	ssyncadd.s32 $0xFFFFC000  }
0x42: {  	[bflag:$0x0] =	sbarrier.arrive $0xFFFF  }
0x43: {  	[tilespmem:s18], [sflag:$0x1] =	stream.linear.gather [hbm4b:s9+s3], $0x80, $0x38;
	[tilespmem:$0x1E900] =	vst v63  }
0x44: {  	_ = 	snop  }
0x45: {  	[tilespmem:s19], [sflag:$0x2] =	stream.linear.gather [hbm4b:s12+s3], $0x80, $0x38;
	[tilespmem:$0x1E900] =	vst v63  }
0x46: {  	_ = 	snop  }
0x47: {  	[tilespmem:s17], [sflag:$0x3] =	stream.indirect.gather [hbm4b:s4+s20], $0x80, s3, s20, $0xb8;
	[tilespmem:$0x1E900] =	vst v63  }
0x48: {  	_ =	swait.ge [sflag:s21], $0x4000  }
0x49: {  	[sflag:s21] =	ssyncset.done $0x0  }
0x4a: {  	s29 =	simm.s32 $0x80;
	[sflag:s21] =	ssyncadd.s32 $0xFFFFC000  }
0x4b: {  	[tilespmem:s22], [sflag:$0x4] =	stream.indirect.gather [hbm4b:s4+s20], $0x80, s29, s20, $0xb8;
	[tilespmem:$0x1E900] =	vst v63  }
0x4c: {  	_ =	swait.ge [sflag:s23], $0x80  }
0x4d: {  	[sflag:s23] =	ssyncset.done $0x0  }
0x4e: {  	[sflag:s23] =	ssyncadd.s32 $0xFFFFFF80  }
0x4f: {  	[spmem:s2] =	stream.indirect.scatter.add.f32 [tilespmem:s17], [sflag:$0x5], $0x80, s18, s20, $0xb8;
	[tilespmem:$0x1E900] =	vst v63  }
0x50: {  	_ =	swait.ge [sflag:s16], $0x4000  }
0x51: {  	s30 =	sadd.s32 $0xFFFFFB20, s15;
	[sflag:s16] =	ssyncset.done $0x0  }
0x52: {  	s29 =	sadd.s32 $0x500, s30;
	[sflag:s16] =	ssyncadd.s32 $0xFFFFC000  }
0x53: {  	[tilespmem:s18], [sflag:$0x1] =	stream.linear.gather [hbm4b:s29+s3], $0x80, $0x38;
	[tilespmem:$0x1E900] =	vst v63  }
0x54: {  	_ =	swait.ge [sflag:s24], $0x4000  }
0x55: {  	[sflag:s24] =	ssyncset.done $0x0  }
0x56: {  	s29 =	simm.s32 $0x100;
	[sflag:s24] =	ssyncadd.s32 $0xFFFFC000  }
0x57: {  	[tilespmem:s17], [sflag:$0x3] =	stream.indirect.gather [hbm4b:s4+s20], $0x80, s29, s20, $0xb8;
	[tilespmem:$0x1E900] =	vst v63  }
0x58: {  	_ =	swait.ge [sflag:s25], $0x80  }
0x59: {  	[sflag:s25] =	ssyncset.done $0x0  }
0x5a: {  	[sflag:s25] =	ssyncadd.s32 $0xFFFFFF80  }
0x5b: {  	[spmem:s2] =	stream.indirect.scatter.add.f32 [tilespmem:s22], [sflag:$0x5], $0x80, s19, s20, $0xb8;
	[tilespmem:$0x1E900] =	vst v63  }
0x5c: {  	_ =	swait.ge [sflag:s16], $0x4000  }
0x5d: {  	s31 =	sadd.s32 $0x510, s30;
	[sflag:s16] =	ssyncset.done $0x0  }
0x5e: {  	s30 =	simm.s32 $0x200;
	s29 =	simm.s32 $0xFFFFFB40;
	[sflag:s16] =	ssyncadd.s32 $0xFFFFC000  }
.LBB2_6:
0x5f: {  	[tilespmem:s19], [sflag:$0x2] =	stream.linear.gather [hbm4b:s31+s3], $0x80, $0x38;
	[tilespmem:$0x1E900] =	vst v63  }
0x60: {  	s31 =	smov.u32 s29  }
0x61: {  	p0 =	sne.s32 s29, $0xFFFFFFE0;
	s29 =	sadd.s32 $0x20, s29;
	_ =	swait.ge [sflag:s21], $0x4000  }
0x62: {  	[sflag:s21] =	ssyncset.done $0x0  }
0x63: {  	s0 =	sadd.s32 $0xFFFFFF80, s30;
	[sflag:s21] =	ssyncadd.s32 $0xFFFFC000  }
0x64: {  	[tilespmem:s22], [sflag:$0x4] =	stream.indirect.gather [hbm4b:s4+s20], $0x80, s0, s20, $0xb8;
	[tilespmem:$0x1E900] =	vst v63  }
0x65: {  	_ =	swait.ge [sflag:s23], $0x80  }
0x66: {  	[sflag:s23] =	ssyncset.done $0x0  }
0x67: {  	[sflag:s23] =	ssyncadd.s32 $0xFFFFFF80  }
0x68: {  	[spmem:s2] =	stream.indirect.scatter.add.f32 [tilespmem:s17], [sflag:$0x5], $0x80, s18, s20, $0xb8;
	[tilespmem:$0x1E900] =	vst v63  }
0x69: {  	_ =	swait.ge [sflag:s16], $0x4000  }
0x6a: {  	s0 =	sadd.s32 s31, s15;
	[sflag:s16] =	ssyncset.done $0x0  }
0x6b: {  	s31 =	sadd.s32 $0x500, s0;
	[sflag:s16] =	ssyncadd.s32 $0xFFFFC000  }
0x6c: {  	[tilespmem:s18], [sflag:$0x1] =	stream.linear.gather [hbm4b:s31+s3], $0x80, $0x38;
	[tilespmem:$0x1E900] =	vst v63  }
0x6d: {  	_ =	swait.ge [sflag:s24], $0x4000  }
0x6e: {  	[sflag:s24] =	ssyncset.done $0x0  }
0x6f: {  	[sflag:s24] =	ssyncadd.s32 $0xFFFFC000  }
0x70: {  	[tilespmem:s17], [sflag:$0x3] =	stream.indirect.gather [hbm4b:s4+s20], $0x80, s30, s20, $0xb8;
	[tilespmem:$0x1E900] =	vst v63  }
0x71: {  	_ =	swait.ge [sflag:s25], $0x80  }
0x72: {  	[sflag:s25] =	ssyncset.done $0x0  }
.Ltmp2:
0x73: {  	[sflag:s25] =	ssyncadd.s32 $0xFFFFFF80;
	(pc) =	sbr.rel @p0 .LBB2_6-.Ltmp2, $4  }
0x74: {  	[spmem:s2] =	stream.indirect.scatter.add.f32 [tilespmem:s22], [sflag:$0x5], $0x80, s19, s20, $0xb8;
	[tilespmem:$0x1E900] =	vst v63  }
0x75: {  	_ =	swait.ge [sflag:s16], $0x4000  }
0x76: {  	[sflag:s16] =	ssyncset.done $0x0  }
0x77: {  	s31 =	sadd.s32 $0x510, s0;
	s30 =	sadd.s32 $0x100, s30;
	[sflag:s16] =	ssyncadd.s32 $0xFFFFC000  }
0x78: {  	[tilespmem:s19], [sflag:$0x2] =	stream.linear.gather [hbm4b:s31+s3], $0x80, $0x38;
	[tilespmem:$0x1E900] =	vst v63  }
0x79: {  	_ =	swait.ge [sflag:s21], $0x4000  }
0x7a: {  	[sflag:s21] =	ssyncset.done $0x0  }
0x7b: {  	[sflag:s21] =	ssyncadd.s32 $0xFFFFC000  }
0x7c: {  	[tilespmem:s22], [sflag:$0x4] =	stream.indirect.gather [hbm4b:s4+s20], $0x80, s26, s20, $0xb8;
	[tilespmem:$0x1E900] =	vst v63  }
0x7d: {  	_ =	swait.ge [sflag:s23], $0x80  }
0x7e: {  	[sflag:s23] =	ssyncset.done $0x0  }
0x7f: {  	[sflag:s23] =	ssyncadd.s32 $0xFFFFFF80  }
0x80: {  	[spmem:s2] =	stream.indirect.scatter.add.f32 [tilespmem:s17], [sflag:$0x5], $0x80, s18, s20, $0xb8;
	[tilespmem:$0x1E900] =	vst v63  }
0x81: {  	_ =	swait.ge [sflag:s16], $0x4000  }
0x82: {  	[sflag:s16] =	ssyncset.done $0x0  }
0x83: {  	[sflag:s16] =	ssyncadd.s32 $0xFFFFC000  }
0x84: {  	_ =	swait.ge [sflag:s24], $0x4000  }
0x85: {  	[sflag:s24] =	ssyncset.done $0x0  }
0x86: {  	[sflag:s24] =	ssyncadd.s32 $0xFFFFC000  }
0x87: {  	_ =	swait.ge [sflag:s25], $0x80  }
0x88: {  	[sflag:s25] =	ssyncset.done $0x0  }
0x89: {  	[sflag:s25] =	ssyncadd.s32 $0xFFFFFF80  }
0x8a: {  	[spmem:s2] =	stream.indirect.scatter.add.f32 [tilespmem:s22], [sflag:$0x5], $0x80, s19, s20, $0xb8;
	[tilespmem:$0x1E900] =	vst v63  }
0x8b: {  	_ =	swait.ge [sflag:s16], $0x4000  }
0x8c: {  	s0 =	sshll.u32 s1, $0x6;
	s28 =	sadd.s32 $0x1, s28;
	[sflag:s16] =	ssyncset.done $0x0  }
0x8d: {  	s29 =	sshrl.u32 s5, $0x3;
	p0 =	sne.s32 s28, s14;
	[sflag:s16] =	ssyncadd.s32 $0xFFFFC000  }
.Ltmp3:
0x8e: {  	s0 =	sor.u32 $0x1C05, s0;
	[bflag:$0x0] =	sbarrier.arrive $0xFFFF;
	(pc) =	sbr.rel @p0 .LBB2_1-.Ltmp3, $4  }
0x8f: {  	[hbm:s13], [sflag:s0] =	dma.local [spmem:s29], $0x2800  }
0x90: {  	_ =	swait.ge [sflag:s16], $0x2800  }
0x91: {  	[sflag:s16] =	ssyncset.done $0x0  }
0x92: {  	[sflag:s16] =	ssyncadd.s32 $0xFFFFD800  }
0x93: {  	_ =	sfence.sel $0x180000  }
0x94: {  	[bflag:$0x0] =	sbarrier.arrive $0xFFFF  }
0x95: {  	_ =	strace $0x9000004A  }
0x96: {  	[bflag:$0x2] =	sbarrier.arrive $0xFFFF  }
0x97: {  	p0 =	sne.s32 s1, $0x0;
	s0 =	rddreg [dreg:$0x2]  }
0x98: {  	s0 =	sadd.s32 @!p0 $0x100000, s0  }
0x99: {  	[sflag:s0] =	ssyncadd.tile.s32 @!p0 $0x1;
	_ =	shalt  }
.Lfunc_end2:
_tile_overlayer_lowered:
.L_overlay_start_2:
0x9a: {  	(tag) =	ssettag $0x2  }
0x9b: {  	s0 =	rddreg [dreg:$0x0];
	s2 =	stileid.u32  }
0x9c: {  	s1 =	rddreg [dreg:$0x1];
	p0 =	sne.s32 s2, $0x0  }
0x9d: {  	s3 =	rddreg [dreg:$0x2];
	[bflag:$0x3] =	sbarrier.arrive $0xFFFF;
	s2 =	simm.s32 @!p0 $0x1C05  }
0x9e: {  	[timem:s3], [sflag:s2] =	dma.local @!p0 [hbm:s0], s1  }
0x9f: {  	s0 =	simm.s32 @!p0 $0x5  }
0xa0: {  	_ =	swait.ge @!p0 [sflag:s0], s1  }
0xa1: {  	s1 =	ssub.s32 @!p0 $0x0, s1;
	[sflag:s0] =	ssyncset.done @!p0 $0x0  }
0xa2: {  	[sflag:s0] =	ssyncadd.s32 @!p0 s1  }
0xa3: {  	[bflag:$0x3] =	sbarrier.arrive $0xFFFF  }
0xa4: {  	_ =	shalt  }

// kernel: kernel.14.cloned.1.call-start
scs
__scs_entry_jumppad:
0x0: {  	(pc) =	sbr.rel $0x88, $3  }
0x1: {  	(tag) =	ssettag $0x0;
	lr =	simm.s32 $0x1  }
0x2: {  	[smem:$0x3F9B] =	sst lr;
	_ =	strace $0xD0000000  }
0x3: {  	_ = 	snop  }
0x4: {  	_ = 	snop  }
0x5: {  	_ = 	snop  }
0x6: {  	_ = 	snop  }
0x7: {  	_ = 	snop  }
__scs_overlays_trampoline_lowered:
0x8: {  	[smem:$0x3FAA] =	sst s0  }
0x9: {  	[smem:$0x3FAB] =	sst s1  }
0xa: {  	[smem:$0x3FAC] =	sst s2  }
0xb: {  	[smem:$0x3FAD] =	sst s3  }
0xc: {  	[smem:$0x3FAE] =	sst s4  }
0xd: {  	[smem:$0x3FAF] =	sst s5  }
0xe: {  	[smem:$0x3FB0] =	sst s6  }
0xf: {  	[smem:$0x3FB1] =	sst s7  }
0x10: {  	[smem:$0x3FB2] =	sst s8  }
0x11: {  	[smem:$0x3FB3] =	sst s9;
	s0 =	simm.s32 @!p0 $0x0  }
0x12: {  	s1 =	sld [smem:$0x3F99];
	s0 =	simm.s32 @p0 $0x1  }
0x13: {  	[smem:$0x3FB4] =	sst s0;
	s0 =	simm.s32 @!p1 $0x0  }
0x14: {  	s2 =	sld [smem:$0x3F98];
	s0 =	simm.s32 @p1 $0x1  }
0x15: {  	[smem:$0x3FB5] =	sst s0;
	s0 =	simm.s32 @!p2 $0x0  }
0x16: {  	s3 =	sld [smem:$0x3FDB];
	s0 =	simm.s32 @p2 $0x1  }
0x17: {  	s4 =	simm.s32 $0x1BF5;
	[smem:$0x3FB7] =	sst s0  }
0x18: {  	s0 =	sld [smem:$0x3F9A];
	_ =	swait.ge [sflag:s4], $0x0  }
0x19: {  	s7 =	sld [smem:$0x3F9B]  }
0x1a: {  	s8 =	sadd.s32 $0xFFFFE003, lr  }
0x1b: {  	s9 =	sadd.s32 $0xFFFFFEF7, lr;
	s5 =	simm.s32 $0xFFFFFFFF;
	p2 =	slt.u32 s8, $0xFFFFF086  }
0x1c: {  	p1 =	slt.u32 s9, $0xF7A;
	s5 =	simm.s32 @!p2 $0x0  }
0x1d: {  	s5 =	simm.s32 @p1 $0x1;
	p0 =	seq.s32 s7, s2  }
0x1e: {  	s7 =	smul.u32 @!p0 $0xF7A, s2;
	p2 =	seq.s32 @!p0 s5, $0x0  }
0x1f: {  	s9 =	smul.u32 $0xF7A, s1;
	s8 =	simm.s32 @!p0 $0x1BF5;
	p2 =	por !p2, p0  }
0x20: {  	[sflag:s8] =	ssyncset.s32 @!p0 $0xFFFFF086;
	s6 =	sadd.s32 @!p0 s3, s7;
	s7 =	simm.s32 @!p0 $0x108  }
0x21: {  	s3 =	sadd.s32 s3, s9;
	s6 =	sadd.s32 @!p0 $0x88, s6;
	s7 =	simm.s32 @p2 $0x1082  }
0x22: {  	[simem:s7], [sflag:s8] =	dma.local @!p0 [hbm:s6], $0xF7A  }
0x23: {  	s9 =	sor.u32 $0xD0000000, s2;
	s6 =	simm.s32 $0x108;
	_ =	swait.ge @!p0 [sflag:s8], $0x0  }
0x24: {  	s3 =	sadd.s32 $0x88, s3;
	s6 =	simm.s32 @!p1 $0x1082;
	[sflag:s4] =	ssyncset.s32 $0xFFFFF086  }
0x25: {  	[simem:s6], [sflag:s4] =	dma.local [hbm:s3], $0xF7A  }
0x26: {  	[smem:$0x3F9B] =	sst s1;
	(tag) =	ssettag s2;
	_ =	strace s9  }
0x27: {  	s1 =	sld [smem:$0x3FAB]  }
0x28: {  	s2 =	sld [smem:$0x3FAC]  }
0x29: {  	s4 =	sld [smem:$0x3FAE]  }
0x2a: {  	p0 =	seq.s32 s5, $0x0;
	s5 =	sld [smem:$0x3FAF]  }
0x2b: {  	s6 =	sld [smem:$0x3FB0]  }
0x2c: {  	s7 =	sld [smem:$0x3FB1]  }
0x2d: {  	s3 =	simm.s32 $0x108;
	s8 =	sld [smem:$0x3FB2]  }
0x2e: {  	s3 =	simm.s32 @!p0 $0x1082;
	s9 =	sld [smem:$0x3FB3]  }
0x2f: {  	lr =	sadd.s32 s0, s3;
	s0 =	sld [smem:$0x3FAA]  }
0x30: {  	s3 =	sld [smem:$0x3FAD]  }
0x31: {  	[smem:$0x3FB6] =	sst s10  }
0x32: {  	s10 =	sld [smem:$0x3FB4];
	_ =	sdelay $0x3  }
0x33: {  	p0 =	seq.s32 s10, $0x1;
	s10 =	sld [smem:$0x3FB6];
	_ =	sdelay $0x3  }
0x34: {  	[smem:$0x3FB6] =	sst s10  }
0x35: {  	s10 =	sld [smem:$0x3FB5];
	_ =	sdelay $0x3  }
0x36: {  	p1 =	seq.s32 s10, $0x1;
	s10 =	sld [smem:$0x3FB6];
	_ =	sdelay $0x3  }
0x37: {  	[smem:$0x3FB6] =	sst s10  }
0x38: {  	s10 =	sld [smem:$0x3FB7]  }
0x39: {  	_ = 	snop;
	(pc) =	sbr.ind lr, $3  }
0x3a: {  	_ = 	snop  }
0x3b: {  	_ = 	snop  }
0x3c: {  	p2 =	seq.s32 s10, $0x1;
	s10 =	sld [smem:$0x3FB6]  }
0x3d: {  	_ =	shalt  }
0x3e: {  	_ =	shalt  }
0x3f: {  	_ =	shalt  }
0x40: {  	_ =	shalt  }
0x41: {  	_ =	shalt  }
0x42: {  	_ =	shalt  }
0x43: {  	_ =	shalt  }
0x44: {  	_ =	shalt  }
0x45: {  	_ =	shalt  }
0x46: {  	_ =	shalt  }
0x47: {  	_ =	shalt  }
0x48: {  	_ =	shalt  }
0x49: {  	_ =	shalt  }
0x4a: {  	_ =	shalt  }
0x4b: {  	_ =	shalt  }
0x4c: {  	_ =	shalt  }
0x4d: {  	_ =	shalt  }
0x4e: {  	_ =	shalt  }
0x4f: {  	_ =	shalt  }
0x50: {  	_ =	shalt  }
0x51: {  	_ =	shalt  }
0x52: {  	_ =	shalt  }
0x53: {  	_ =	shalt  }
0x54: {  	_ =	shalt  }
0x55: {  	_ =	shalt  }
0x56: {  	_ =	shalt  }
0x57: {  	_ =	shalt  }
0x58: {  	_ =	shalt  }
0x59: {  	_ =	shalt  }
0x5a: {  	_ =	shalt  }
0x5b: {  	_ =	shalt  }
0x5c: {  	_ =	shalt  }
0x5d: {  	_ =	shalt  }
0x5e: {  	_ =	shalt  }
0x5f: {  	_ =	shalt  }
0x60: {  	_ =	shalt  }
0x61: {  	_ =	shalt  }
0x62: {  	_ =	shalt  }
0x63: {  	_ =	shalt  }
0x64: {  	_ =	shalt  }
0x65: {  	_ =	shalt  }
0x66: {  	_ =	shalt  }
0x67: {  	_ =	shalt  }
0x68: {  	_ =	shalt  }
0x69: {  	_ =	shalt  }
0x6a: {  	_ =	shalt  }
0x6b: {  	_ =	shalt  }
0x6c: {  	_ =	shalt  }
0x6d: {  	_ =	shalt  }
0x6e: {  	_ =	shalt  }
0x6f: {  	_ =	shalt  }
0x70: {  	_ =	shalt  }
0x71: {  	_ =	shalt  }
0x72: {  	_ =	shalt  }
0x73: {  	_ =	shalt  }
0x74: {  	_ =	shalt  }
0x75: {  	_ =	shalt  }
0x76: {  	_ =	shalt  }
0x77: {  	_ =	shalt  }
0x78: {  	_ =	shalt  }
0x79: {  	_ =	shalt  }
0x7a: {  	_ =	shalt  }
0x7b: {  	_ =	shalt  }
0x7c: {  	_ =	shalt  }
0x7d: {  	_ =	shalt  }
0x7e: {  	_ =	shalt  }
0x7f: {  	_ =	shalt  }
0x80: {  	_ =	shalt  }
0x81: {  	_ =	shalt  }
0x82: {  	_ =	shalt  }
0x83: {  	_ =	shalt  }
0x84: {  	_ =	shalt  }
0x85: {  	_ =	shalt  }
0x86: {  	_ =	shalt  }
0x87: {  	_ =	shalt  }
.Lfunc_end0:
.L_simem_size_0:
called_computation.2_lowered:
.L_overlay_start_0:
0x88: {  	s2 =	sld [smem:$0x3FD9]  }
0x89: {  	s3 =	sld [smem:$0x3FFE];
	_ =	sdelay $0x1  }
0x8a: {  	s1 =	srdreg.scid  }
0x8b: {  	s0 =	sand.u32 $0x1, s1  }
0x8c: {  	s16 =	sshll.u32 s0, $0xA;
	s2 =	sadd.s32 s3, s2  }
0x8d: {  	s2 =	sadd.s32 s2, s16  }
0x8e: {  	[smem:$0x3FC2] =	sst s2  }
0x8f: {  	_ = 	snop  }
0x90: {  	(tm) =	ssettm $0x1  }
0x91: {  	s17 =	sld [smem:$0x3FFB];
	_ =	sdelay $0x3  }
0x92: {  	_ =	strace s17  }
0x93: {  	s2 =	sld [smem:$0x3FFC];
	_ =	sdelay $0x3  }
0x94: {  	_ =	strace s2  }
0x95: {  	s2 =	sld [smem:$0x3FFD];
	_ =	sdelay $0x3  }
0x96: {  	_ =	strace s2  }
0x97: {  	_ =	strace $0x8FFFFFFF  }
0x98: {  	s18 =	sld [smem:$0x3FDB];
	_ =	sdelay $0x1  }
0x99: {  	s19 =	simm.s32 $_scs_section_size  }
0x9a: {  	s4 =	simm.s32 $_size__tile_overlayer_lowered;
	s5 =	simm.s32 $_tile_overlayer_lowered  }
0x9b: {  	s22 =	simm.s32 $0x1BFF;
	s21 =	sshll.u32 s5, $0x1;
	s2 =	sadd.s32 s19, s18  }
0x9c: {  	s6 =	simm.s32 $0x0;
	s20 =	sshll.u32 s4, $0x1;
	s4 =	sadd.s32 s21, s2  }
0x9d: {  	[timem:s6], [sflag:s22] =	dma.local [hbm:s4], s20  }
0x9e: {  	_ =	swait.ge [sflag:s22], s20  }
0x9f: {  	s3 =	ssub.s32 $0x0, s20;
	[sflag:s22] =	ssyncset.done $0x0  }
0xa0: {  	[sflag:s22] =	ssyncadd.s32 s3;
	_ =	sdelay $0x1  }
0xa1: {  	s23 =	simm.s32 $0x1B8B  }
0xa2: {  	_ =	swait.ge [sflag:s23], $0x1  }
0xa3: {  	[sflag:s23] =	ssyncset.done $0x0  }
0xa4: {  	s25 =	simm.s32 $0x1B8E;
	s24 =	sld [smem:$0x3FFE];
	[sflag:s23] =	ssyncadd.s32 $0xFFFFFFFF  }
0xa5: {  	s26 =	simm.s32 $execute0_lowered;
	[smem:$0x3FD2] =	sst s25  }
0xa6: {  	s4 =	sshll.u32 s26, $0x1;
	_ =	strace $0x8000004C;
	[dreg:$0x1] =	wrdreg $0xFFFFFFFF  }
0xa7: {  	s28 =	simm.s32 $_size_execute0_lowered;
	s2 =	sadd.s32 s2, s4;
	[dreg:$0x0] =	wrdreg $0x0  }
0xa8: {  	s4 =	sshll.u32 s28, $0x1;
	[dreg:$0x2] =	wrdreg s2  }
0xa9: {  	[dreg:$0x3] =	wrdreg s4  }
0xaa: {  	[dreg:$0x4] =	wrdreg $0xC0  }
0xab: {  	_ =	task [dreg:s6], $0x5FFFF  }
0xac: {  	[dreg:$0x1] =	wrdreg $0xFFFFFFFF  }
0xad: {  	[dreg:$0x0] =	wrdreg $0x60  }
0xae: {  	[dreg:$0x2] =	wrdreg s24  }
0xaf: {  	[dreg:$0x3] =	wrdreg $0xA9000  }
0xb0: {  	[dreg:$0x4] =	wrdreg $0x9  }
0xb1: {  	_ =	task.clear_ibuf [dreg:s6], $0x5FFFF;
	_ =	strace $0x9000004C  }
0xb2: {  	s29 =	simm.s32 $0x9;
	_ =	strace $0x8000004E  }
0xb3: {  	_ =	swait.ge [sflag:s29], $0x1  }
0xb4: {  	[sflag:s29] =	ssyncadd.s32 $0xFFFFFFFF  }
0xb5: {  	_ =	strace $0x9000004E  }
0xb6: {  	_ =	sfence  }
0xb7: {  	s30 =	sld [smem:$0x0];
	_ =	sdelay $0x2  }
0xb8: {  	s31 =	sshll.u32 s1, $0xD;
	s1 =	sshrl.u32 s1, $0x2  }
0xb9: {  	s3 =	sand.u32 $0x4000, s31;
	s1 =	sadd.s32 s1, s30  }
0xba: {  	s0 =	sor.u32 s3, s0;
	s1 =	sshll.u32 s1, $0x11  }
0xbb: {  	s0 =	sor.u32 s1, s0  }
0xbc: {  	s0 =	sadd.s32 $0x8F2B, s0  }
0xbd: {  	[sflag:s0] =	ssyncadd.remote.s32 $0x1  }
0xbe: {  	_ =	sfence.sel $0xFFFF  }
0xbf: {  	[dreg:$0x0] =	wrdreg $0xFFFFFFFF;
	(pc) =	sbr.abs _section_cstart, $3  }
0xc0: {  	[dreg:$0x1] =	wrdreg $0xFFFFFFFF  }
0xc1: {  	_ =	task.clear_ibuf [dreg:s6], $0x2FFFF;
	_ =	strace $0x9FFFFFFF  }
0xc2: {  	(tm) =	ssettm $0x7FFFFFFF  }
0xc3: {  	_ =	shalt  }
tec
execute0_lowered:
.L_overlay_start_1:
0x0: {  	(tag) =	ssettag $0x1  }
0x1: {  	s5 =	rddreg [dreg:$0x0]  }
0x2: {  	s2 =	rddreg [dreg:$0x1]  }
0x3: {  	s1 =	stileid.u32;
	s4 =	srdreg.scid;
	s3 =	simm.s32 $0x0  }
0x4: {  	s17 =	simm.s32 $0x2900;
	s18 =	simm.s32 $0x2800;
	s19 =	simm.s32 $0x2880  }
0x5: {  	s20 =	simm.s32 $0x80;
	s21 =	simm.s32 $0x3;
	s22 =	simm.s32 $0x6900  }
0x6: {  	s23 =	simm.s32 $0x1;
	s24 =	simm.s32 $0x4;
	s6 =	smul.u32 $0x2800, s1  }
0x7: {  	s26 =	simm.s32 $0x2780;
	s28 =	simm.s32 $0x0;
	s8 =	smul.u32 $0x280, s1  }
0x8: {  	s7 =	sand.u32 $0x1, s4;
	[smem:$0x7FF] =	sst s3;
	s30 =	smul.u32 $0x50000, s1  }
0x9: {  	s4 =	sadd.s32 $0xB400, s5;
	s15 =	sadd.s32 $0x1400, s5;
	s16 =	smul.u32 $0x500, s1  }
0xa: {  	s25 =	smul.u32 $0x2800, s7;
	_ =	strace $0x8000004D;
	s7 =	ssub.s32 $0x2, s7  }
0xb: {  	s9 =	sshrl.u32 s6, $0x3;
	s6 =	sshrl.u32 s30, $0x2;
	s31 =	sshrl.u32 s7, $0x1  }
0xc: {  	s10 =	sadd.s32 s9, s5;
	s8 =	sadd.s32 s8, s25;
	s14 =	ssub.s32 s7, s31  }
0xd: {  	s9 =	sadd.s32 s15, s9;
	s15 =	sadd.s32 s16, s15;
	s16 =	simm.s32 $0x5  }
0xe: {  	v0 =	vmov s25;
	s25 =	simm.s32 $0x2;
	s8 =	sshll.u32 s8, $0x4;
	s12 =	sadd.s32 $0x10, s9  }
0xf: {  	s14 =	smax.u32 s14, $0x1;
	s13 =	sadd.s32 s8, s5;
	s5 =	sadd.s32 s6, s2  }
0x10: {  	s6 =	sadd.s32 $0x6400, s10;
	s7 =	sadd.s32 $0x4000, s5;
	s8 =	sadd.s32 $0x8000, s5  }
0x11: {  	v1 =	vimm.f32 $0.0e+00;
	s10 =	sadd.s32 $0xC000, s5;
	s11 =	sadd.s32 $0x10000, s5;
	s13 =	sadd.s32 $0x5B400, s13  }
.LBB2_1:
0x12: {  	[tilespmem:s3], [sflag:$0x5] =	stream.linear.gather [hbm4b:s6+s3], $0x2800, $0x38;
	[tilespmem:$0x1E900] =	vst v63  }
0x13: {  	_ =	swait.ge [sflag:s16], $0x2800  }
0x14: {  	[sflag:s16] =	ssyncset.done $0x0  }
0x15: {  	s29 =	simm.s32 $0x0;
	s30 =	simm.s32 $0x40;
	[sflag:s16] =	ssyncadd.s32 $0xFFFFD800  }
.LBB2_2:
0x16: {  	p0 =	sne.s32 s30, $0x9FC0;
	v2 =	vld [tilespmem:s29+$0x0];
	_ =	sdelay $0x1  }
.Ltmp0:
0x17: {  	(pc) =	sbr.rel @p0 .LBB2_2-.Ltmp0, $3  }
0x18: {  	_ =	sdelay $0x1  }
0x19: {  	v2 =	vadd.s32 v0, v2  }
0x1a: {  	[tilespmem:s29+$0x0] =	vst v2;
	s29 =	sshra.s32 s30, $0x2;
	s30 =	sadd.s32 $0x40, s30  }
0x1b: {  	v2 =	vld [tilespmem:s29+$0x0];
	_ =	sdelay $0x4  }
0x1c: {  	v2 =	vadd.s32 v0, v2  }
0x1d: {  	s30 =	simm.s32 $0x200;
	[tilespmem:s29+$0x0] =	vst v2;
	s29 =	simm.s32 $0x0  }
.LBB2_4:
0x1e: {  	p0 =	sne.s32 s30, $0xFE00;
	[tilespmem:s29+$0x2970] =	vst v1  }
0x1f: {  	[tilespmem:s29+$0x2900] =	vst v1  }
0x20: {  	[tilespmem:s29+$0x2910] =	vst v1  }
.Ltmp1:
0x21: {  	[tilespmem:s29+$0x2920] =	vst v1;
	(pc) =	sbr.rel @p0 .LBB2_4-.Ltmp1, $4  }
0x22: {  	[tilespmem:s29+$0x2930] =	vst v1  }
0x23: {  	[tilespmem:s29+$0x2940] =	vst v1  }
0x24: {  	[tilespmem:s29+$0x2950] =	vst v1  }
0x25: {  	[tilespmem:s29+$0x2960] =	vst v1;
	s29 =	sshra.s32 s30, $0x2;
	s30 =	sadd.s32 $0x200, s30  }
0x26: {  	[tilespmem:s29+$0x2970] =	vst v1  }
0x27: {  	[tilespmem:s29+$0x2900] =	vst v1  }
0x28: {  	[tilespmem:s29+$0x2910] =	vst v1  }
0x29: {  	[tilespmem:s29+$0x2920] =	vst v1  }
0x2a: {  	[tilespmem:s29+$0x2930] =	vst v1  }
0x2b: {  	[tilespmem:s29+$0x2940] =	vst v1  }
0x2c: {  	[tilespmem:s29+$0x2950] =	vst v1  }
0x2d: {  	[tilespmem:s29+$0x2960] =	vst v1  }
0x2e: {  	[spmem:s5] =	stream.linear.scatter [tilespmem:s17], [sflag:$0x5], $0x4000, $0x38;
	[tilespmem:$0x1E900] =	vst v63  }
0x2f: {  	_ =	swait.ge [sflag:s16], $0x4000  }
0x30: {  	[sflag:s16] =	ssyncset.done $0x0  }
0x31: {  	[sflag:s16] =	ssyncadd.s32 $0xFFFFC000  }
0x32: {  	[spmem:s7] =	stream.linear.scatter [tilespmem:s17], [sflag:$0x5], $0x4000, $0x38;
	[tilespmem:$0x1E900] =	vst v63  }
0x33: {  	_ =	swait.ge [sflag:s16], $0x4000  }
0x34: {  	[sflag:s16] =	ssyncset.done $0x0  }
0x35: {  	[sflag:s16] =	ssyncadd.s32 $0xFFFFC000  }
0x36: {  	[spmem:s8] =	stream.linear.scatter [tilespmem:s17], [sflag:$0x5], $0x4000, $0x38;
	[tilespmem:$0x1E900] =	vst v63  }
0x37: {  	_ =	swait.ge [sflag:s16], $0x4000  }
0x38: {  	[sflag:s16] =	ssyncset.done $0x0  }
0x39: {  	[sflag:s16] =	ssyncadd.s32 $0xFFFFC000  }
0x3a: {  	[spmem:s10] =	stream.linear.scatter [tilespmem:s17], [sflag:$0x5], $0x4000, $0x38;
	[tilespmem:$0x1E900] =	vst v63  }
0x3b: {  	_ =	swait.ge [sflag:s16], $0x4000  }
0x3c: {  	[sflag:s16] =	ssyncset.done $0x0  }
0x3d: {  	[sflag:s16] =	ssyncadd.s32 $0xFFFFC000  }
0x3e: {  	[spmem:s11] =	stream.linear.scatter [tilespmem:s17], [sflag:$0x5], $0x4000, $0x38;
	[tilespmem:$0x1E900] =	vst v63  }
0x3f: {  	_ =	swait.ge [sflag:s16], $0x4000  }
0x40: {  	[sflag:s16] =	ssyncset.done $0x0  }
0x41: {  	[sflag:s16] =	ssyncadd.s32 $0xFFFFC000  }
0x42: {  	[bflag:$0x0] =	sbarrier.arrive $0xFFFF  }
0x43: {  	[tilespmem:s18], [sflag:$0x1] =	stream.linear.gather [hbm4b:s9+s3], $0x80, $0x38;
	[tilespmem:$0x1E900] =	vst v63  }
0x44: {  	_ = 	snop  }
0x45: {  	[tilespmem:s19], [sflag:$0x2] =	stream.linear.gather [hbm4b:s12+s3], $0x80, $0x38;
	[tilespmem:$0x1E900] =	vst v63  }
0x46: {  	_ = 	snop  }
0x47: {  	[tilespmem:s17], [sflag:$0x3] =	stream.indirect.gather [hbm4b:s4+s20], $0x80, s3, s20, $0xb8;
	[tilespmem:$0x1E900] =	vst v63  }
0x48: {  	_ =	swait.ge [sflag:s21], $0x4000  }
0x49: {  	[sflag:s21] =	ssyncset.done $0x0  }
0x4a: {  	s29 =	simm.s32 $0x80;
	[sflag:s21] =	ssyncadd.s32 $0xFFFFC000  }
0x4b: {  	[tilespmem:s22], [sflag:$0x4] =	stream.indirect.gather [hbm4b:s4+s20], $0x80, s29, s20, $0xb8;
	[tilespmem:$0x1E900] =	vst v63  }
0x4c: {  	_ =	swait.ge [sflag:s23], $0x80  }
0x4d: {  	[sflag:s23] =	ssyncset.done $0x0  }
0x4e: {  	[sflag:s23] =	ssyncadd.s32 $0xFFFFFF80  }
0x4f: {  	[spmem:s2] =	stream.indirect.scatter.add.f32 [tilespmem:s17], [sflag:$0x5], $0x80, s18, s20, $0xb8;
	[tilespmem:$0x1E900] =	vst v63  }
0x50: {  	_ =	swait.ge [sflag:s16], $0x4000  }
0x51: {  	s30 =	sadd.s32 $0xFFFFFB20, s15;
	[sflag:s16] =	ssyncset.done $0x0  }
0x52: {  	s29 =	sadd.s32 $0x500, s30;
	[sflag:s16] =	ssyncadd.s32 $0xFFFFC000  }
0x53: {  	[tilespmem:s18], [sflag:$0x1] =	stream.linear.gather [hbm4b:s29+s3], $0x80, $0x38;
	[tilespmem:$0x1E900] =	vst v63  }
0x54: {  	_ =	swait.ge [sflag:s24], $0x4000  }
0x55: {  	[sflag:s24] =	ssyncset.done $0x0  }
0x56: {  	s29 =	simm.s32 $0x100;
	[sflag:s24] =	ssyncadd.s32 $0xFFFFC000  }
0x57: {  	[tilespmem:s17], [sflag:$0x3] =	stream.indirect.gather [hbm4b:s4+s20], $0x80, s29, s20, $0xb8;
	[tilespmem:$0x1E900] =	vst v63  }
0x58: {  	_ =	swait.ge [sflag:s25], $0x80  }
0x59: {  	[sflag:s25] =	ssyncset.done $0x0  }
0x5a: {  	[sflag:s25] =	ssyncadd.s32 $0xFFFFFF80  }
0x5b: {  	[spmem:s2] =	stream.indirect.scatter.add.f32 [tilespmem:s22], [sflag:$0x5], $0x80, s19, s20, $0xb8;
	[tilespmem:$0x1E900] =	vst v63  }
0x5c: {  	_ =	swait.ge [sflag:s16], $0x4000  }
0x5d: {  	s31 =	sadd.s32 $0x510, s30;
	[sflag:s16] =	ssyncset.done $0x0  }
0x5e: {  	s30 =	simm.s32 $0x200;
	s29 =	simm.s32 $0xFFFFFB40;
	[sflag:s16] =	ssyncadd.s32 $0xFFFFC000  }
.LBB2_6:
0x5f: {  	[tilespmem:s19], [sflag:$0x2] =	stream.linear.gather [hbm4b:s31+s3], $0x80, $0x38;
	[tilespmem:$0x1E900] =	vst v63  }
0x60: {  	s31 =	smov.u32 s29  }
0x61: {  	p0 =	sne.s32 s29, $0xFFFFFFE0;
	s29 =	sadd.s32 $0x20, s29;
	_ =	swait.ge [sflag:s21], $0x4000  }
0x62: {  	[sflag:s21] =	ssyncset.done $0x0  }
0x63: {  	s0 =	sadd.s32 $0xFFFFFF80, s30;
	[sflag:s21] =	ssyncadd.s32 $0xFFFFC000  }
0x64: {  	[tilespmem:s22], [sflag:$0x4] =	stream.indirect.gather [hbm4b:s4+s20], $0x80, s0, s20, $0xb8;
	[tilespmem:$0x1E900] =	vst v63  }
0x65: {  	_ =	swait.ge [sflag:s23], $0x80  }
0x66: {  	[sflag:s23] =	ssyncset.done $0x0  }
0x67: {  	[sflag:s23] =	ssyncadd.s32 $0xFFFFFF80  }
0x68: {  	[spmem:s2] =	stream.indirect.scatter.add.f32 [tilespmem:s17], [sflag:$0x5], $0x80, s18, s20, $0xb8;
	[tilespmem:$0x1E900] =	vst v63  }
0x69: {  	_ =	swait.ge [sflag:s16], $0x4000  }
0x6a: {  	s0 =	sadd.s32 s31, s15;
	[sflag:s16] =	ssyncset.done $0x0  }
0x6b: {  	s31 =	sadd.s32 $0x500, s0;
	[sflag:s16] =	ssyncadd.s32 $0xFFFFC000  }
0x6c: {  	[tilespmem:s18], [sflag:$0x1] =	stream.linear.gather [hbm4b:s31+s3], $0x80, $0x38;
	[tilespmem:$0x1E900] =	vst v63  }
0x6d: {  	_ =	swait.ge [sflag:s24], $0x4000  }
0x6e: {  	[sflag:s24] =	ssyncset.done $0x0  }
0x6f: {  	[sflag:s24] =	ssyncadd.s32 $0xFFFFC000  }
0x70: {  	[tilespmem:s17], [sflag:$0x3] =	stream.indirect.gather [hbm4b:s4+s20], $0x80, s30, s20, $0xb8;
	[tilespmem:$0x1E900] =	vst v63  }
0x71: {  	_ =	swait.ge [sflag:s25], $0x80  }
0x72: {  	[sflag:s25] =	ssyncset.done $0x0  }
.Ltmp2:
0x73: {  	[sflag:s25] =	ssyncadd.s32 $0xFFFFFF80;
	(pc) =	sbr.rel @p0 .LBB2_6-.Ltmp2, $4  }
0x74: {  	[spmem:s2] =	stream.indirect.scatter.add.f32 [tilespmem:s22], [sflag:$0x5], $0x80, s19, s20, $0xb8;
	[tilespmem:$0x1E900] =	vst v63  }
0x75: {  	_ =	swait.ge [sflag:s16], $0x4000  }
0x76: {  	[sflag:s16] =	ssyncset.done $0x0  }
0x77: {  	s31 =	sadd.s32 $0x510, s0;
	s30 =	sadd.s32 $0x100, s30;
	[sflag:s16] =	ssyncadd.s32 $0xFFFFC000  }
0x78: {  	[tilespmem:s19], [sflag:$0x2] =	stream.linear.gather [hbm4b:s31+s3], $0x80, $0x38;
	[tilespmem:$0x1E900] =	vst v63  }
0x79: {  	_ =	swait.ge [sflag:s21], $0x4000  }
0x7a: {  	[sflag:s21] =	ssyncset.done $0x0  }
0x7b: {  	[sflag:s21] =	ssyncadd.s32 $0xFFFFC000  }
0x7c: {  	[tilespmem:s22], [sflag:$0x4] =	stream.indirect.gather [hbm4b:s4+s20], $0x80, s26, s20, $0xb8;
	[tilespmem:$0x1E900] =	vst v63  }
0x7d: {  	_ =	swait.ge [sflag:s23], $0x80  }
0x7e: {  	[sflag:s23] =	ssyncset.done $0x0  }
0x7f: {  	[sflag:s23] =	ssyncadd.s32 $0xFFFFFF80  }
0x80: {  	[spmem:s2] =	stream.indirect.scatter.add.f32 [tilespmem:s17], [sflag:$0x5], $0x80, s18, s20, $0xb8;
	[tilespmem:$0x1E900] =	vst v63  }
0x81: {  	_ =	swait.ge [sflag:s16], $0x4000  }
0x82: {  	[sflag:s16] =	ssyncset.done $0x0  }
0x83: {  	[sflag:s16] =	ssyncadd.s32 $0xFFFFC000  }
0x84: {  	_ =	swait.ge [sflag:s24], $0x4000  }
0x85: {  	[sflag:s24] =	ssyncset.done $0x0  }
0x86: {  	[sflag:s24] =	ssyncadd.s32 $0xFFFFC000  }
0x87: {  	_ =	swait.ge [sflag:s25], $0x80  }
0x88: {  	[sflag:s25] =	ssyncset.done $0x0  }
0x89: {  	[sflag:s25] =	ssyncadd.s32 $0xFFFFFF80  }
0x8a: {  	[spmem:s2] =	stream.indirect.scatter.add.f32 [tilespmem:s22], [sflag:$0x5], $0x80, s19, s20, $0xb8;
	[tilespmem:$0x1E900] =	vst v63  }
0x8b: {  	_ =	swait.ge [sflag:s16], $0x4000  }
0x8c: {  	s0 =	sshll.u32 s1, $0x6;
	s28 =	sadd.s32 $0x1, s28;
	[sflag:s16] =	ssyncset.done $0x0  }
0x8d: {  	s29 =	sshrl.u32 s5, $0x3;
	p0 =	sne.s32 s28, s14;
	[sflag:s16] =	ssyncadd.s32 $0xFFFFC000  }
.Ltmp3:
0x8e: {  	s0 =	sor.u32 $0x1C05, s0;
	[bflag:$0x0] =	sbarrier.arrive $0xFFFF;
	(pc) =	sbr.rel @p0 .LBB2_1-.Ltmp3, $4  }
0x8f: {  	[hbm:s13], [sflag:s0] =	dma.local [spmem:s29], $0x2800  }
0x90: {  	_ =	swait.ge [sflag:s16], $0x2800  }
0x91: {  	[sflag:s16] =	ssyncset.done $0x0  }
0x92: {  	[sflag:s16] =	ssyncadd.s32 $0xFFFFD800  }
0x93: {  	_ =	sfence.sel $0x180000  }
0x94: {  	[bflag:$0x0] =	sbarrier.arrive $0xFFFF  }
0x95: {  	_ =	strace $0x9000004D  }
0x96: {  	[bflag:$0x2] =	sbarrier.arrive $0xFFFF  }
0x97: {  	p0 =	sne.s32 s1, $0x0;
	s0 =	rddreg [dreg:$0x2]  }
0x98: {  	s0 =	sadd.s32 @!p0 $0x100000, s0  }
0x99: {  	[sflag:s0] =	ssyncadd.tile.s32 @!p0 $0x1;
	_ =	shalt  }
.Lfunc_end2:
_tile_overlayer_lowered:
.L_overlay_start_2:
0x9a: {  	(tag) =	ssettag $0x2  }
0x9b: {  	s0 =	rddreg [dreg:$0x0];
	s2 =	stileid.u32  }
0x9c: {  	s1 =	rddreg [dreg:$0x1];
	p0 =	sne.s32 s2, $0x0  }
0x9d: {  	s3 =	rddreg [dreg:$0x2];
	[bflag:$0x3] =	sbarrier.arrive $0xFFFF;
	s2 =	simm.s32 @!p0 $0x1C05  }
0x9e: {  	[timem:s3], [sflag:s2] =	dma.local @!p0 [hbm:s0], s1  }
0x9f: {  	s0 =	simm.s32 @!p0 $0x5  }
0xa0: {  	_ =	swait.ge @!p0 [sflag:s0], s1  }
0xa1: {  	s1 =	ssub.s32 @!p0 $0x0, s1;
	[sflag:s0] =	ssyncset.done @!p0 $0x0  }
0xa2: {  	[sflag:s0] =	ssyncadd.s32 @!p0 s1  }
0xa3: {  	[bflag:$0x3] =	sbarrier.arrive $0xFFFF  }
0xa4: {  	_ =	shalt  }

// kernel: kernel.8.cloned.1.call-start
scs
__scs_entry_jumppad:
0x0: {  	(pc) =	sbr.rel $0x88, $3  }
0x1: {  	(tag) =	ssettag $0x0;
	lr =	simm.s32 $0x1  }
0x2: {  	[smem:$0x3F9B] =	sst lr;
	_ =	strace $0xD0000000  }
0x3: {  	_ = 	snop  }
0x4: {  	_ = 	snop  }
0x5: {  	_ = 	snop  }
0x6: {  	_ = 	snop  }
0x7: {  	_ = 	snop  }
__scs_overlays_trampoline_lowered:
0x8: {  	[smem:$0x3FAA] =	sst s0  }
0x9: {  	[smem:$0x3FAB] =	sst s1  }
0xa: {  	[smem:$0x3FAC] =	sst s2  }
0xb: {  	[smem:$0x3FAD] =	sst s3  }
0xc: {  	[smem:$0x3FAE] =	sst s4  }
0xd: {  	[smem:$0x3FAF] =	sst s5  }
0xe: {  	[smem:$0x3FB0] =	sst s6  }
0xf: {  	[smem:$0x3FB1] =	sst s7  }
0x10: {  	[smem:$0x3FB2] =	sst s8  }
0x11: {  	[smem:$0x3FB3] =	sst s9;
	s0 =	simm.s32 @!p0 $0x0  }
0x12: {  	s1 =	sld [smem:$0x3F99];
	s0 =	simm.s32 @p0 $0x1  }
0x13: {  	[smem:$0x3FB4] =	sst s0;
	s0 =	simm.s32 @!p1 $0x0  }
0x14: {  	s2 =	sld [smem:$0x3F98];
	s0 =	simm.s32 @p1 $0x1  }
0x15: {  	[smem:$0x3FB5] =	sst s0;
	s0 =	simm.s32 @!p2 $0x0  }
0x16: {  	s3 =	sld [smem:$0x3FDB];
	s0 =	simm.s32 @p2 $0x1  }
0x17: {  	s4 =	simm.s32 $0x1BF5;
	[smem:$0x3FB7] =	sst s0  }
0x18: {  	s0 =	sld [smem:$0x3F9A];
	_ =	swait.ge [sflag:s4], $0x0  }
0x19: {  	s7 =	sld [smem:$0x3F9B]  }
0x1a: {  	s8 =	sadd.s32 $0xFFFFE003, lr  }
0x1b: {  	s9 =	sadd.s32 $0xFFFFFEF7, lr;
	s5 =	simm.s32 $0xFFFFFFFF;
	p2 =	slt.u32 s8, $0xFFFFF086  }
0x1c: {  	p1 =	slt.u32 s9, $0xF7A;
	s5 =	simm.s32 @!p2 $0x0  }
0x1d: {  	s5 =	simm.s32 @p1 $0x1;
	p0 =	seq.s32 s7, s2  }
0x1e: {  	s7 =	smul.u32 @!p0 $0xF7A, s2;
	p2 =	seq.s32 @!p0 s5, $0x0  }
0x1f: {  	s9 =	smul.u32 $0xF7A, s1;
	s8 =	simm.s32 @!p0 $0x1BF5;
	p2 =	por !p2, p0  }
0x20: {  	[sflag:s8] =	ssyncset.s32 @!p0 $0xFFFFF086;
	s6 =	sadd.s32 @!p0 s3, s7;
	s7 =	simm.s32 @!p0 $0x108  }
0x21: {  	s3 =	sadd.s32 s3, s9;
	s6 =	sadd.s32 @!p0 $0x88, s6;
	s7 =	simm.s32 @p2 $0x1082  }
0x22: {  	[simem:s7], [sflag:s8] =	dma.local @!p0 [hbm:s6], $0xF7A  }
0x23: {  	s9 =	sor.u32 $0xD0000000, s2;
	s6 =	simm.s32 $0x108;
	_ =	swait.ge @!p0 [sflag:s8], $0x0  }
0x24: {  	s3 =	sadd.s32 $0x88, s3;
	s6 =	simm.s32 @!p1 $0x1082;
	[sflag:s4] =	ssyncset.s32 $0xFFFFF086  }
0x25: {  	[simem:s6], [sflag:s4] =	dma.local [hbm:s3], $0xF7A  }
0x26: {  	[smem:$0x3F9B] =	sst s1;
	(tag) =	ssettag s2;
	_ =	strace s9  }
0x27: {  	s1 =	sld [smem:$0x3FAB]  }
0x28: {  	s2 =	sld [smem:$0x3FAC]  }
0x29: {  	s4 =	sld [smem:$0x3FAE]  }
0x2a: {  	p0 =	seq.s32 s5, $0x0;
	s5 =	sld [smem:$0x3FAF]  }
0x2b: {  	s6 =	sld [smem:$0x3FB0]  }
0x2c: {  	s7 =	sld [smem:$0x3FB1]  }
0x2d: {  	s3 =	simm.s32 $0x108;
	s8 =	sld [smem:$0x3FB2]  }
0x2e: {  	s3 =	simm.s32 @!p0 $0x1082;
	s9 =	sld [smem:$0x3FB3]  }
0x2f: {  	lr =	sadd.s32 s0, s3;
	s0 =	sld [smem:$0x3FAA]  }
0x30: {  	s3 =	sld [smem:$0x3FAD]  }
0x31: {  	[smem:$0x3FB6] =	sst s10  }
0x32: {  	s10 =	sld [smem:$0x3FB4];
	_ =	sdelay $0x3  }
0x33: {  	p0 =	seq.s32 s10, $0x1;
	s10 =	sld [smem:$0x3FB6];
	_ =	sdelay $0x3  }
0x34: {  	[smem:$0x3FB6] =	sst s10  }
0x35: {  	s10 =	sld [smem:$0x3FB5];
	_ =	sdelay $0x3  }
0x36: {  	p1 =	seq.s32 s10, $0x1;
	s10 =	sld [smem:$0x3FB6];
	_ =	sdelay $0x3  }
0x37: {  	[smem:$0x3FB6] =	sst s10  }
0x38: {  	s10 =	sld [smem:$0x3FB7]  }
0x39: {  	_ = 	snop;
	(pc) =	sbr.ind lr, $3  }
0x3a: {  	_ = 	snop  }
0x3b: {  	_ = 	snop  }
0x3c: {  	p2 =	seq.s32 s10, $0x1;
	s10 =	sld [smem:$0x3FB6]  }
0x3d: {  	_ =	shalt  }
0x3e: {  	_ =	shalt  }
0x3f: {  	_ =	shalt  }
0x40: {  	_ =	shalt  }
0x41: {  	_ =	shalt  }
0x42: {  	_ =	shalt  }
0x43: {  	_ =	shalt  }
0x44: {  	_ =	shalt  }
0x45: {  	_ =	shalt  }
0x46: {  	_ =	shalt  }
0x47: {  	_ =	shalt  }
0x48: {  	_ =	shalt  }
0x49: {  	_ =	shalt  }
0x4a: {  	_ =	shalt  }
0x4b: {  	_ =	shalt  }
0x4c: {  	_ =	shalt  }
0x4d: {  	_ =	shalt  }
0x4e: {  	_ =	shalt  }
0x4f: {  	_ =	shalt  }
0x50: {  	_ =	shalt  }
0x51: {  	_ =	shalt  }
0x52: {  	_ =	shalt  }
0x53: {  	_ =	shalt  }
0x54: {  	_ =	shalt  }
0x55: {  	_ =	shalt  }
0x56: {  	_ =	shalt  }
0x57: {  	_ =	shalt  }
0x58: {  	_ =	shalt  }
0x59: {  	_ =	shalt  }
0x5a: {  	_ =	shalt  }
0x5b: {  	_ =	shalt  }
0x5c: {  	_ =	shalt  }
0x5d: {  	_ =	shalt  }
0x5e: {  	_ =	shalt  }
0x5f: {  	_ =	shalt  }
0x60: {  	_ =	shalt  }
0x61: {  	_ =	shalt  }
0x62: {  	_ =	shalt  }
0x63: {  	_ =	shalt  }
0x64: {  	_ =	shalt  }
0x65: {  	_ =	shalt  }
0x66: {  	_ =	shalt  }
0x67: {  	_ =	shalt  }
0x68: {  	_ =	shalt  }
0x69: {  	_ =	shalt  }
0x6a: {  	_ =	shalt  }
0x6b: {  	_ =	shalt  }
0x6c: {  	_ =	shalt  }
0x6d: {  	_ =	shalt  }
0x6e: {  	_ =	shalt  }
0x6f: {  	_ =	shalt  }
0x70: {  	_ =	shalt  }
0x71: {  	_ =	shalt  }
0x72: {  	_ =	shalt  }
0x73: {  	_ =	shalt  }
0x74: {  	_ =	shalt  }
0x75: {  	_ =	shalt  }
0x76: {  	_ =	shalt  }
0x77: {  	_ =	shalt  }
0x78: {  	_ =	shalt  }
0x79: {  	_ =	shalt  }
0x7a: {  	_ =	shalt  }
0x7b: {  	_ =	shalt  }
0x7c: {  	_ =	shalt  }
0x7d: {  	_ =	shalt  }
0x7e: {  	_ =	shalt  }
0x7f: {  	_ =	shalt  }
0x80: {  	_ =	shalt  }
0x81: {  	_ =	shalt  }
0x82: {  	_ =	shalt  }
0x83: {  	_ =	shalt  }
0x84: {  	_ =	shalt  }
0x85: {  	_ =	shalt  }
0x86: {  	_ =	shalt  }
0x87: {  	_ =	shalt  }
.Lfunc_end0:
.L_simem_size_0:
called_computation_lowered:
.L_overlay_start_0:
0x88: {  	s2 =	sld [smem:$0x3FD9]  }
0x89: {  	s3 =	sld [smem:$0x3FFE];
	_ =	sdelay $0x1  }
0x8a: {  	s1 =	srdreg.scid  }
0x8b: {  	s0 =	sand.u32 $0x1, s1  }
0x8c: {  	s17 =	sshll.u32 s0, $0xA;
	s2 =	sadd.s32 s3, s2  }
0x8d: {  	s2 =	sadd.s32 s2, s17  }
0x8e: {  	[smem:$0x3FC2] =	sst s2  }
0x8f: {  	_ = 	snop  }
0x90: {  	s2 =	sld [smem:$0x3FD0];
	(tm) =	ssettm $0x1  }
0x91: {  	s18 =	sld [smem:$0x3FFB];
	_ =	sdelay $0x3  }
0x92: {  	_ =	strace s18  }
0x93: {  	s3 =	sld [smem:$0x3FFC];
	_ =	sdelay $0x3  }
0x94: {  	_ =	strace s3  }
0x95: {  	s3 =	sld [smem:$0x3FFD];
	_ =	sdelay $0x3  }
0x96: {  	_ =	strace s3  }
0x97: {  	_ =	strace $0x8FFFFFFF  }
0x98: {  	s19 =	sld [smem:$0x3FDB];
	_ =	sdelay $0x1  }
0x99: {  	s4 =	simm.s32 $_scs_section_size  }
0x9a: {  	s5 =	simm.s32 $_size__tile_overlayer_lowered;
	s6 =	simm.s32 $_tile_overlayer_lowered  }
0x9b: {  	s22 =	simm.s32 $0x1BFF;
	s21 =	sshll.u32 s6, $0x1;
	s3 =	sadd.s32 s4, s19  }
0x9c: {  	s7 =	simm.s32 $0x0;
	s20 =	sshll.u32 s5, $0x1;
	s5 =	sadd.s32 s21, s3  }
0x9d: {  	[timem:s7], [sflag:s22] =	dma.local [hbm:s5], s20  }
0x9e: {  	_ =	swait.ge [sflag:s22], s20  }
0x9f: {  	s4 =	ssub.s32 $0x0, s20;
	[sflag:s22] =	ssyncset.done $0x0  }
0xa0: {  	[sflag:s22] =	ssyncadd.s32 s4;
	_ =	sdelay $0x1  }
0xa1: {  	s23 =	simm.s32 $0x1B8B  }
0xa2: {  	_ =	swait.ge [sflag:s23], $0x1  }
0xa3: {  	[sflag:s23] =	ssyncset.done $0x0  }
0xa4: {  	s25 =	simm.s32 $0x1B8E;
	s24 =	sld [smem:$0x3FFE];
	[sflag:s23] =	ssyncadd.s32 $0xFFFFFFFF  }
0xa5: {  	s26 =	simm.s32 $execute0_lowered;
	[smem:$0x3FD2] =	sst s25  }
0xa6: {  	s5 =	sshll.u32 s26, $0x1;
	_ =	strace $0x80000046;
	[dreg:$0x1] =	wrdreg $0xFFFFFFFF  }
0xa7: {  	s28 =	simm.s32 $_size_execute0_lowered;
	s3 =	sadd.s32 s3, s5;
	[dreg:$0x0] =	wrdreg $0x0  }
0xa8: {  	s5 =	sshll.u32 s28, $0x1;
	[dreg:$0x2] =	wrdreg s3  }
0xa9: {  	[dreg:$0x3] =	wrdreg s5  }
0xaa: {  	[dreg:$0x4] =	wrdreg $0xC0  }
0xab: {  	_ =	task [dreg:s7], $0x5FFFF  }
0xac: {  	[dreg:$0x1] =	wrdreg $0xFFFFFFFF  }
0xad: {  	[dreg:$0x0] =	wrdreg $0x60  }
0xae: {  	[dreg:$0x2] =	wrdreg s24  }
0xaf: {  	[dreg:$0x3] =	wrdreg s2  }
0xb0: {  	[dreg:$0x4] =	wrdreg $0x50800  }
0xb1: {  	[dreg:$0x5] =	wrdreg $0x9  }
0xb2: {  	_ =	task.clear_ibuf [dreg:s7], $0x6FFFF;
	_ =	strace $0x90000046  }
0xb3: {  	s29 =	simm.s32 $0x9;
	_ =	strace $0x80000048  }
0xb4: {  	_ =	swait.ge [sflag:s29], $0x1  }
0xb5: {  	[sflag:s29] =	ssyncadd.s32 $0xFFFFFFFF  }
0xb6: {  	_ =	strace $0x90000048  }
0xb7: {  	_ =	sfence  }
0xb8: {  	s30 =	sld [smem:$0x0];
	_ =	sdelay $0x2  }
0xb9: {  	s31 =	sshll.u32 s1, $0xD;
	s1 =	sshrl.u32 s1, $0x2  }
0xba: {  	s3 =	sand.u32 $0x4000, s31;
	s1 =	sadd.s32 s1, s30  }
0xbb: {  	s0 =	sor.u32 s3, s0;
	s1 =	sshll.u32 s1, $0x11  }
0xbc: {  	s0 =	sor.u32 s1, s0  }
0xbd: {  	s0 =	sadd.s32 $0x8F2B, s0  }
0xbe: {  	[sflag:s0] =	ssyncadd.remote.s32 $0x1  }
0xbf: {  	_ =	sfence.sel $0xFFFF  }
0xc0: {  	[dreg:$0x0] =	wrdreg $0xFFFFFFFF;
	(pc) =	sbr.abs _section_cstart, $3  }
0xc1: {  	[dreg:$0x1] =	wrdreg $0xFFFFFFFF  }
0xc2: {  	_ =	task.clear_ibuf [dreg:s7], $0x2FFFF;
	_ =	strace $0x9FFFFFFF  }
0xc3: {  	(tm) =	ssettm $0x7FFFFFFF  }
tec
execute0_lowered:
.L_overlay_start_1:
0x0: {  	(tag) =	ssettag $0x1  }
0x1: {  	s6 =	rddreg [dreg:$0x0]  }
0x2: {  	s5 =	rddreg [dreg:$0x1]  }
0x3: {  	s1 =	rddreg [dreg:$0x2]  }
0x4: {  	s2 =	srdreg.scid;
	s0 =	rddreg [dreg:$0x3]  }
0x5: {  	s3 =	simm.s32 $0x0;
	s11 =	simm.s32 $0x5000;
	s12 =	simm.s32 $0x1  }
0x6: {  	s15 =	simm.s32 $0x10;
	s16 =	simm.s32 $0x0;
	s4 =	sand.u32 $0x1, s2  }
0x7: {  	s2 =	stileid.u32;
	[smem:$0x7FF] =	sst s3;
	s7 =	sshll.u32 s4, $0x4  }
0x8: {  	_ =	strace $0x80000047;
	s8 =	ssub.s32 $0x2, s4;
	s10 =	sshll.u32 s2, $0x7  }
0x9: {  	p0 =	seq.s32 s4, $0x1;
	s14 =	smul.u32 $0x2800, s2;
	s7 =	sor.u32 s2, s7  }
0xa: {  	s30 =	smul.u32 $0x500, s2;
	s13 =	sshll.u32 s2, $0x6;
	s7 =	sshrl.u32 s7, $0x3  }
0xb: {  	s9 =	sshrl.u32 s8, $0x1;
	s29 =	sand.u32 $0x380, s10;
	s7 =	smul.u32 $0x14000, s7  }
0xc: {  	s10 =	simm.s32 $0x80;
	s13 =	sor.u32 $0x1C02, s13;
	s8 =	ssub.s32 s8, s9  }
0xd: {  	s9 =	simm.s32 $0x2800;
	s4 =	sor.u32 s29, s7;
	s7 =	simm.s32 $0x1400  }
0xe: {  	s31 =	sshrl.u32 s4, $0x3;
	s7 =	simm.s32 @!p0 $0x6400;
	s4 =	sadd.s32 s14, s1  }
0xf: {  	s5 =	sadd.s32 s5, s31;
	s7 =	sadd.s32 s7, s6;
	s6 =	smax.u32 s8, $0x1  }
0x10: {  	v1 =	vimm.f32 $1.000000000e+00;
	v2 =	vimm.f32 $0.0e+00;
	v0 =	vmov s14;
	s8 =	simm.s32 $0x2;
	s14 =	sshrl.u32 s4, $0x3;
	s7 =	sadd.s32 s7, s30  }
.LBB2_1:
0x11: {  	[tilespmem:s3], [sflag:$0x2] =	stream.linear.gather [hbm4b:s7+s3], $0x2800, $0x38;
	[tilespmem:$0x7880] =	vst v63  }
0x12: {  	_ =	swait.ge [sflag:s8], $0x2800  }
0x13: {  	[sflag:s8] =	ssyncset.done $0x0  }
0x14: {  	[sflag:s8] =	ssyncadd.s32 $0xFFFFD800  }
0x15: {  	[tilespmem:$0x5000] =	vst v1  }
0x16: {  	[tilespmem:$0x5010] =	vst v1  }
0x17: {  	[tilespmem:$0x5020] =	vst v1  }
0x18: {  	[tilespmem:$0x5030] =	vst v1  }
0x19: {  	[tilespmem:$0x5040] =	vst v1  }
0x1a: {  	[tilespmem:$0x5050] =	vst v1  }
0x1b: {  	[tilespmem:$0x5060] =	vst v1  }
0x1c: {  	s17 =	simm.s32 $0x40;
	s18 =	simm.s32 $0x0;
	[tilespmem:$0x5070] =	vst v1  }
.LBB2_2:
0x1d: {  	p0 =	sne.s32 s17, $0x9FC0;
	[tilespmem:s18+$0x2800] =	vst v2;
	s18 =	smov.u32 s17;
	s17 =	sadd.s32 $0x40, s17  }
.Ltmp0:
0x1e: {  	(pc) =	sbr.rel @p0 .LBB2_2-.Ltmp0, $2  }
0x1f: {  	_ =	sdelay $0x2  }
0x20: {  	s18 =	sshra.s32 s18, $0x2  }
0x21: {  	[tilespmem:s18+$0x2800] =	vst v2  }
0x22: {  	[spmem:s4] =	stream.linear.scatter [tilespmem:s9], [sflag:$0x2], $0x2800, $0x38;
	[tilespmem:$0x7880] =	vst v63  }
0x23: {  	_ =	swait.ge [sflag:s8], $0x2800  }
0x24: {  	[sflag:s8] =	ssyncset.done $0x0  }
0x25: {  	s17 =	simm.s32 $0x0;
	[sflag:s8] =	ssyncadd.s32 $0xFFFFD800  }
0x26: {  	v5 =	vld [tilespmem:s17+$0x0]  }
0x27: {  	v7 =	vld [tilespmem:s17+$0x10]  }
0x28: {  	v6 =	vld [tilespmem:s17+$0x20]  }
0x29: {  	v4 =	vld [tilespmem:s17+$0x30]  }
0x2a: {  	v3 =	vld [tilespmem:s17+$0x40]  }
0x2b: {  	v8 =	vadd.s32 v0, v5;
	v5 =	vld [tilespmem:s17+$0x50]  }
0x2c: {  	s18 =	simm.s32 $0x0;
	s19 =	simm.s32 $0x200;
	[tilespmem:s17+$0x0] =	vst v8;
	v8 =	vadd.s32 v0, v7;
	v7 =	vld [tilespmem:s17+$0x60]  }
.LBB2_4:
0x2d: {  	s20 =	sshra.s32 s19, $0x2;
	p0 =	sne.s32 s19, $0x9E00;
	[tilespmem:s17+$0x10] =	vst v8;
	v6 =	vadd.s32 v0, v6;
	v8 =	vld [tilespmem:s17+$0x70]  }
0x2e: {  	v9 =	vld [tilespmem:s20+$0x0];
	[tilespmem:s17+$0x20] =	vst v6;
	v4 =	vadd.s32 v0, v4  }
0x2f: {  	v10 =	vld [tilespmem:s20+$0x10];
	[tilespmem:s17+$0x30] =	vst v4;
	v3 =	vadd.s32 v0, v3  }
.Ltmp1:
0x30: {  	v6 =	vld [tilespmem:s20+$0x20];
	[tilespmem:s17+$0x40] =	vst v3;
	v3 =	vadd.s32 v0, v5;
	(pc) =	sbr.rel @p0 .LBB2_4-.Ltmp1, $4  }
0x31: {  	v4 =	vld [tilespmem:s20+$0x30];
	[tilespmem:s17+$0x50] =	vst v3;
	v5 =	vadd.s32 v0, v7  }
0x32: {  	v3 =	vld [tilespmem:s20+$0x40];
	[tilespmem:s17+$0x60] =	vst v5;
	v7 =	vadd.s32 v0, v8  }
0x33: {  	v8 =	vadd.s32 v0, v9;
	v5 =	vld [tilespmem:s20+$0x50];
	[tilespmem:s17+$0x70] =	vst v7;
	s17 =	smov.u32 s20  }
0x34: {  	s19 =	sadd.s32 $0x200, s19;
	[tilespmem:s17+$0x0] =	vst v8;
	v8 =	vadd.s32 v0, v10;
	v7 =	vld [tilespmem:s17+$0x60]  }
0x35: {  	[tilespmem:s17+$0x10] =	vst v8;
	v6 =	vadd.s32 v0, v6;
	v63 =	vld [tilespmem:s17+$0x70]  }
0x36: {  	[tilespmem:s17+$0x20] =	vst v6;
	v4 =	vadd.s32 v0, v4  }
0x37: {  	[tilespmem:s17+$0x30] =	vst v4;
	v3 =	vadd.s32 v0, v3  }
0x38: {  	[tilespmem:s17+$0x40] =	vst v3;
	v3 =	vadd.s32 v0, v5  }
0x39: {  	[tilespmem:s17+$0x50] =	vst v3;
	v3 =	vadd.s32 v0, v7  }
0x3a: {  	[tilespmem:s17+$0x60] =	vst v3;
	v3 =	vadd.s32 v0, v63  }
0x3b: {  	[tilespmem:s17+$0x70] =	vst v3  }
.LBB2_6:
0x3c: {  	p0 =	sne.s32 s18, $0x9E00  }
.Ltmp2:
0x3d: {  	_ = 	snop;
	(pc) =	sbr.rel @p0 .LBB2_6-.Ltmp2, $3  }
0x3e: {  	_ =	sdelay $0x1  }
0x3f: {  	s17 =	sshra.s32 s18, $0x2;
	s18 =	sadd.s32 $0x200, s18  }
0x40: {  	[spmem:s1] =	stream.indirect.scatter.add.f32 [tilespmem:s11], [sflag:$0x1], $0x1, s17, s10, $0xb8;
	[tilespmem:$0x7880] =	vst v63  }
0x41: {  	_ =	swait.ge [sflag:s12], $0x80  }
0x42: {  	s17 =	simm.s32 $0x4F;
	[sflag:s12] =	ssyncset.done $0x0  }
.LBB2_8:
0x43: {  	p0 =	sne.s32 s17, $0x1;
	s17 =	sadd.s32 $0xFFFFFFFF, s17;
	[sflag:s12] =	ssyncadd.s32 $0xFFFFFF80  }
.Ltmp3:
0x44: {  	(pc) =	sbr.rel @p0 .LBB2_8-.Ltmp3, $3  }
0x45: {  	_ =	sdelay $0x1  }
0x46: {  	_ =	swait.ge [sflag:s12], $0x80  }
0x47: {  	[sflag:s12] =	ssyncset.done $0x0  }
0x48: {  	s16 =	sadd.s32 $0x1, s16  }
0x49: {  	p0 =	sne.s32 s16, s6  }
.Ltmp4:
0x4a: {  	[sflag:s12] =	ssyncadd.s32 $0xFFFFFF80;
	(pc) =	sbr.rel @p0 .LBB2_1-.Ltmp4, $4  }
0x4b: {  	[hbm:s5@s10], [sflag:s13] =	dma.strided [spmem:s14@s15], $0x500, s12, $0x10   }
0x4c: {  	_ =	swait.ge [sflag:s8], $0x500  }
0x4d: {  	[sflag:s8] =	ssyncset.done $0x0  }
0x4e: {  	[sflag:s8] =	ssyncadd.s32 $0xFFFFFB00  }
0x4f: {  	_ =	sfence.sel $0x180000  }
0x50: {  	[bflag:$0x0] =	sbarrier.arrive $0xFFFF  }
0x51: {  	p0 =	sne.s32 s2, $0x0;
	_ =	strace $0x90000047  }
0x52: {  	s0 =	sadd.s32 @!p0 $0x100000, s0;
	[bflag:$0x2] =	sbarrier.arrive $0xFFFF  }
0x53: {  	[sflag:s0] =	ssyncadd.tile.s32 @!p0 $0x1;
	_ =	shalt  }
.Lfunc_end2:
_tile_overlayer_lowered:
.L_overlay_start_2:
0x54: {  	(tag) =	ssettag $0x2  }
0x55: {  	s0 =	rddreg [dreg:$0x0];
	s2 =	stileid.u32  }
0x56: {  	s1 =	rddreg [dreg:$0x1];
	p0 =	sne.s32 s2, $0x0  }
0x57: {  	s3 =	rddreg [dreg:$0x2];
	[bflag:$0x3] =	sbarrier.arrive $0xFFFF;
	s2 =	simm.s32 @!p0 $0x1C02  }
0x58: {  	[timem:s3], [sflag:s2] =	dma.local @!p0 [hbm:s0], s1  }
0x59: {  	s0 =	simm.s32 @!p0 $0x2  }
0x5a: {  	_ =	swait.ge @!p0 [sflag:s0], s1  }
0x5b: {  	s1 =	ssub.s32 @!p0 $0x0, s1;
	[sflag:s0] =	ssyncset.done @!p0 $0x0  }
0x5c: {  	[sflag:s0] =	ssyncadd.s32 @!p0 s1  }
0x5d: {  	[bflag:$0x3] =	sbarrier.arrive $0xFFFF  }
0x5e: {  	_ =	shalt  }

</sc_bundles>
